<compile_context>
chip_gen: v7x
topology: tpu7x:2x2x1
jax: 0.10.2.dev20260603
libtpu: 0.0.44.dev20260713+nightly
codegen_flags: <defaults>
</compile_context>

<pallas_src>
import functools

import jax
import jax.numpy as jnp
from jax import lax
from jax.experimental import pallas as pl
from jax.experimental.pallas import tpu as pltpu
from jax.experimental.pallas import tpu_sc as plsc

B = 1024
L = 200
D = 128
N = B * L
NC = 2
NS = 16
NW = NC * NS
PER_W = N // NW
CHUNK = 128
NCH = PER_W // CHUNK
NBUF = 5
NGROUPS = NCH // NBUF

_mesh = plsc.VectorSubcoreMesh(core_axis_name="c", subcore_axis_name="s")


@functools.partial(
    pl.kernel,
    out_type=jax.ShapeDtypeStruct((N, D), jnp.float32),
    mesh=_mesh,
    scratch_types=[
        pltpu.VMEM((NCH, CHUNK), jnp.int32),
        pltpu.VMEM((NBUF, CHUNK, D), jnp.float32),
    ]
    + [pltpu.SemaphoreType.DMA] * NBUF
    + [pltpu.SemaphoreType.DMA] * NBUF,
)
def _emb_gather(idx_hbm, table_hbm, out_hbm, idx_v, rows_v, *sems):
    gsem = sems[:NBUF]
    ssem = sems[NBUF:]
    wid = lax.axis_index("s") * NC + lax.axis_index("c")
    base = wid * PER_W

    pltpu.sync_copy(idx_hbm.at[wid], idx_v)

    for b in range(NBUF):
        pltpu.async_copy(table_hbm.at[idx_v.at[b]], rows_v.at[b], gsem[b])

    @pl.loop(0, NGROUPS)
    def _group(go):
        for b in range(NBUF):
            g = go * NBUF + b
            pltpu.make_async_copy(
                table_hbm.at[idx_v.at[0]], rows_v.at[b], gsem[b]
            ).wait()
            pltpu.async_copy(
                rows_v.at[b],
                out_hbm.at[pl.ds(base + g * CHUNK, CHUNK)],
                ssem[b],
            )

            @pl.when(go < NGROUPS - 1)
            def _():
                pltpu.make_async_copy(
                    rows_v.at[b],
                    out_hbm.at[pl.ds(base, CHUNK)],
                    ssem[b],
                ).wait()
                pltpu.async_copy(
                    table_hbm.at[idx_v.at[g + NBUF]], rows_v.at[b], gsem[b]
                )

    for b in range(NBUF):
        pltpu.make_async_copy(
            rows_v.at[b], out_hbm.at[pl.ds(base, CHUNK)], ssem[b]
        ).wait()


def kernel(idx, emb_weight):
    idx_blocks = idx.reshape(NW, NCH, CHUNK).astype(jnp.int32)
    out = _emb_gather(idx_blocks, emb_weight)
    return out.reshape(B, L, D)

# --- scband reference (transcript-rebuilt; emitter-appended) ---
"""Pipeline reference for scband-text-emb-63110249447834 (READ-ONLY COPY).

The authoritative reference and input builder live on the scoring server;
editing this copy changes nothing except your own understanding.
"""

import jax, jax.numpy as jnp
import numpy as np

VOCAB = 1000000
EMB_DIM = 128
B = 1024
L = 200

def setup_inputs(seed: int = 0) -> dict:
    key = jax.random.key(seed)
    k_idx, k_emb = jax.random.split(key)
    idx = jax.random.randint(k_idx, (B, L), 0, VOCAB, dtype=jnp.int64 if jax.config.jax_enable_x64 else jnp.int32)
    # tied embedding / output projection weight, init std=0.02 per init_weights
    emb_weight = jax.random.normal(k_emb, (VOCAB, EMB_DIM), dtype=jnp.float32) * 0.02
    return {"idx": idx, "emb_weight": emb_weight}

def reference(idx, emb_weight):
    # TextEmb forward: token embedding lookup (s.emb(idx))
    return jnp.take(emb_weight, idx, axis=0)

if __name__ == "__main__":
    import jax
    _d = setup_inputs()
    print(jax.jit(kernel)(*tuple(_d.values())))

</pallas_src>

<mosaic_0001>
#map = affine_map<(d0, d1) -> (0, 0, 0)>
#map1 = affine_map<(d0, d1) -> (0, 0)>
module attributes {stable_mosaic.version = 14 : i64} {
  func.func @_emb_gather(%arg0: i32, %arg1: i32, %arg2: memref<32x50x128xi32, #tpu.memory_space<hbm>>, %arg3: memref<1000000x128xf32, #tpu.memory_space<hbm>>, %arg4: memref<204800x128xf32, #tpu.memory_space<hbm>>, %arg5: memref<50x128xi32, #tpu.memory_space<vmem>>, %arg6: memref<5x128x128xf32, #tpu.memory_space<vmem>>, %arg7: memref<!tpu.dma_semaphore, #tpu.memory_space<semaphore_mem>>, %arg8: memref<!tpu.dma_semaphore, #tpu.memory_space<semaphore_mem>>, %arg9: memref<!tpu.dma_semaphore, #tpu.memory_space<semaphore_mem>>, %arg10: memref<!tpu.dma_semaphore, #tpu.memory_space<semaphore_mem>>, %arg11: memref<!tpu.dma_semaphore, #tpu.memory_space<semaphore_mem>>, %arg12: memref<!tpu.dma_semaphore, #tpu.memory_space<semaphore_mem>>, %arg13: memref<!tpu.dma_semaphore, #tpu.memory_space<semaphore_mem>>, %arg14: memref<!tpu.dma_semaphore, #tpu.memory_space<semaphore_mem>>, %arg15: memref<!tpu.dma_semaphore, #tpu.memory_space<semaphore_mem>>, %arg16: memref<!tpu.dma_semaphore, #tpu.memory_space<semaphore_mem>>) attributes {dimension_semantics = [#tpu.dimension_semantics<core_parallel>, #tpu.dimension_semantics<subcore_parallel>], iteration_bounds = array<i64: 2, 16>, scalar_prefetch = 0 : i64, scratch_operands = 12 : i64, tpu.core_type = #tpu.core_type<sc_vector_subcore>, window_params = [{transform_indices = #map}, {transform_indices = #map1}, {transform_indices = #map1}]} {
    %mul3A = arith.constant 2 : i32
    %mul3A_0 = arith.muli %arg1, %mul3A : i32
    %add3A = arith.addi %mul3A_0, %arg0 : i32
    %mul3A_1 = arith.constant 6400 : i32
    %mul3A_2 = arith.muli %add3A, %mul3A_1 : i32
    "tpu.region"() ({
      %run_scoped3A = tpu.sem_alloc : memref<!tpu.dma_semaphore, #tpu.memory_space<semaphore_mem>>
      %dma_start3A_130 = arith.constant 0 : i32
      %dma_start3A_131 = arith.constant 0 : i32
      %dma_start3A_132 = tpu.memref_slice %arg2[%add3A, %dma_start3A_130, %dma_start3A_131] : memref<32x50x128xi32, #tpu.memory_space<hbm>> -> memref<1x50x128xi32, #tpu.memory_space<hbm>>
      %dma_start3A_133 = tpu.memref_squeeze %dma_start3A_132 : memref<1x50x128xi32, #tpu.memory_space<hbm>> -> memref<50x128xi32, #tpu.memory_space<hbm>>
      %dma_start3A_134 = arith.constant 0 : i32
      %dma_start3A_135 = arith.constant 0 : i32
      %dma_start3A_136 = tpu.memref_slice %arg2[%add3A, %dma_start3A_134, %dma_start3A_135] : memref<32x50x128xi32, #tpu.memory_space<hbm>> -> memref<1x50x128xi32, #tpu.memory_space<hbm>>
      %dma_start3A_137 = tpu.memref_squeeze %dma_start3A_136 : memref<1x50x128xi32, #tpu.memory_space<hbm>> -> memref<50x128xi32, #tpu.memory_space<hbm>>
      tpu.enqueue_dma source(%dma_start3A_137 : memref<50x128xi32, #tpu.memory_space<hbm>>) target(%arg5 : memref<50x128xi32, #tpu.memory_space<vmem>>) target_semaphore(%run_scoped3A : memref<!tpu.dma_semaphore, #tpu.memory_space<semaphore_mem>>)
      %dma_wait3A_138 = arith.constant 0 : i32
      %dma_wait3A_139 = arith.constant 0 : i32
      %dma_wait3A_140 = tpu.memref_slice %arg2[%add3A, %dma_wait3A_138, %dma_wait3A_139] : memref<32x50x128xi32, #tpu.memory_space<hbm>> -> memref<1x50x128xi32, #tpu.memory_space<hbm>>
      %dma_wait3A_141 = tpu.memref_squeeze %dma_wait3A_140 : memref<1x50x128xi32, #tpu.memory_space<hbm>> -> memref<50x128xi32, #tpu.memory_space<hbm>>
      %dma_wait3A_142 = arith.constant 0 : i32
      %dma_wait3A_143 = arith.constant 0 : i32
      %dma_wait3A_144 = tpu.memref_slice %arg2[%add3A, %dma_wait3A_142, %dma_wait3A_143] : memref<32x50x128xi32, #tpu.memory_space<hbm>> -> memref<1x50x128xi32, #tpu.memory_space<hbm>>
      %dma_wait3A_145 = tpu.memref_squeeze %dma_wait3A_144 : memref<1x50x128xi32, #tpu.memory_space<hbm>> -> memref<50x128xi32, #tpu.memory_space<hbm>>
      tpu.wait_dma2 semaphore(%run_scoped3A : memref<!tpu.dma_semaphore, #tpu.memory_space<semaphore_mem>>) src(%dma_wait3A_145 : memref<50x128xi32, #tpu.memory_space<hbm>>) dst(%arg5 : memref<50x128xi32, #tpu.memory_space<vmem>>)
      tpu.yield
    }) : () -> ()
    %dma_start3A = arith.constant 0 : i32
    %dma_start3A_3 = arith.constant 0 : i32
    %dma_start3A_4 = arith.constant 0 : i32
    %dma_start3A_5 = arith.constant 0 : i32
    %dma_start3A_6 = tpu.memref_slice %arg6[%dma_start3A_3, %dma_start3A_4, %dma_start3A_5] : memref<5x128x128xf32, #tpu.memory_space<vmem>> -> memref<1x128x128xf32, #tpu.memory_space<vmem>>
    %dma_start3A_7 = tpu.memref_squeeze %dma_start3A_6 : memref<1x128x128xf32, #tpu.memory_space<vmem>> -> memref<128x128xf32, #tpu.memory_space<vmem>>
    %dma_start3A_8 = arith.constant 0 : i32
    %dma_start3A_9 = tpu.memref_slice %arg5[%dma_start3A, %dma_start3A_8] : memref<50x128xi32, #tpu.memory_space<vmem>> -> memref<1x128xi32, #tpu.memory_space<vmem>>
    %dma_start3A_10 = tpu.memref_squeeze %dma_start3A_9 : memref<1x128xi32, #tpu.memory_space<vmem>> -> memref<128xi32, #tpu.memory_space<vmem>>
    %dma_start3A_11 = arith.constant 0 : i32
    %dma_start3A_12 = arith.constant 0 : i32
    %dma_start3A_13 = tpu.memref_slice %arg3[%dma_start3A_11, %dma_start3A_12] : memref<1000000x128xf32, #tpu.memory_space<hbm>> -> memref<1000000x128xf32, #tpu.memory_space<hbm>>
    tpu.enqueue_indirect_dma source(%dma_start3A_13 : memref<1000000x128xf32, #tpu.memory_space<hbm>>) target(%dma_start3A_7 : memref<128x128xf32, #tpu.memory_space<vmem>>) offsets(%dma_start3A_10 : memref<128xi32, #tpu.memory_space<vmem>>) semaphore(%arg7 : memref<!tpu.dma_semaphore, #tpu.memory_space<semaphore_mem>>)
    %dma_start3A_14 = arith.constant 1 : i32
    %dma_start3A_15 = arith.constant 1 : i32
    %dma_start3A_16 = arith.constant 0 : i32
    %dma_start3A_17 = arith.constant 0 : i32
    %dma_start3A_18 = tpu.memref_slice %arg6[%dma_start3A_15, %dma_start3A_16, %dma_start3A_17] : memref<5x128x128xf32, #tpu.memory_space<vmem>> -> memref<1x128x128xf32, #tpu.memory_space<vmem>>
    %dma_start3A_19 = tpu.memref_squeeze %dma_start3A_18 : memref<1x128x128xf32, #tpu.memory_space<vmem>> -> memref<128x128xf32, #tpu.memory_space<vmem>>
    %dma_start3A_20 = arith.constant 0 : i32
    %dma_start3A_21 = tpu.memref_slice %arg5[%dma_start3A_14, %dma_start3A_20] : memref<50x128xi32, #tpu.memory_space<vmem>> -> memref<1x128xi32, #tpu.memory_space<vmem>>
    %dma_start3A_22 = tpu.memref_squeeze %dma_start3A_21 : memref<1x128xi32, #tpu.memory_space<vmem>> -> memref<128xi32, #tpu.memory_space<vmem>>
    %dma_start3A_23 = arith.constant 0 : i32
    %dma_start3A_24 = arith.constant 0 : i32
    %dma_start3A_25 = tpu.memref_slice %arg3[%dma_start3A_23, %dma_start3A_24] : memref<1000000x128xf32, #tpu.memory_space<hbm>> -> memref<1000000x128xf32, #tpu.memory_space<hbm>>
    tpu.enqueue_indirect_dma source(%dma_start3A_25 : memref<1000000x128xf32, #tpu.memory_space<hbm>>) target(%dma_start3A_19 : memref<128x128xf32, #tpu.memory_space<vmem>>) offsets(%dma_start3A_22 : memref<128xi32, #tpu.memory_space<vmem>>) semaphore(%arg8 : memref<!tpu.dma_semaphore, #tpu.memory_space<semaphore_mem>>)
    %dma_start3A_26 = arith.constant 2 : i32
    %dma_start3A_27 = arith.constant 2 : i32
    %dma_start3A_28 = arith.constant 0 : i32
    %dma_start3A_29 = arith.constant 0 : i32
    %dma_start3A_30 = tpu.memref_slice %arg6[%dma_start3A_27, %dma_start3A_28, %dma_start3A_29] : memref<5x128x128xf32, #tpu.memory_space<vmem>> -> memref<1x128x128xf32, #tpu.memory_space<vmem>>
    %dma_start3A_31 = tpu.memref_squeeze %dma_start3A_30 : memref<1x128x128xf32, #tpu.memory_space<vmem>> -> memref<128x128xf32, #tpu.memory_space<vmem>>
    %dma_start3A_32 = arith.constant 0 : i32
    %dma_start3A_33 = tpu.memref_slice %arg5[%dma_start3A_26, %dma_start3A_32] : memref<50x128xi32, #tpu.memory_space<vmem>> -> memref<1x128xi32, #tpu.memory_space<vmem>>
    %dma_start3A_34 = tpu.memref_squeeze %dma_start3A_33 : memref<1x128xi32, #tpu.memory_space<vmem>> -> memref<128xi32, #tpu.memory_space<vmem>>
    %dma_start3A_35 = arith.constant 0 : i32
    %dma_start3A_36 = arith.constant 0 : i32
    %dma_start3A_37 = tpu.memref_slice %arg3[%dma_start3A_35, %dma_start3A_36] : memref<1000000x128xf32, #tpu.memory_space<hbm>> -> memref<1000000x128xf32, #tpu.memory_space<hbm>>
    tpu.enqueue_indirect_dma source(%dma_start3A_37 : memref<1000000x128xf32, #tpu.memory_space<hbm>>) target(%dma_start3A_31 : memref<128x128xf32, #tpu.memory_space<vmem>>) offsets(%dma_start3A_34 : memref<128xi32, #tpu.memory_space<vmem>>) semaphore(%arg9 : memref<!tpu.dma_semaphore, #tpu.memory_space<semaphore_mem>>)
    %dma_start3A_38 = arith.constant 3 : i32
    %dma_start3A_39 = arith.constant 3 : i32
    %dma_start3A_40 = arith.constant 0 : i32
    %dma_start3A_41 = arith.constant 0 : i32
    %dma_start3A_42 = tpu.memref_slice %arg6[%dma_start3A_39, %dma_start3A_40, %dma_start3A_41] : memref<5x128x128xf32, #tpu.memory_space<vmem>> -> memref<1x128x128xf32, #tpu.memory_space<vmem>>
    %dma_start3A_43 = tpu.memref_squeeze %dma_start3A_42 : memref<1x128x128xf32, #tpu.memory_space<vmem>> -> memref<128x128xf32, #tpu.memory_space<vmem>>
    %dma_start3A_44 = arith.constant 0 : i32
    %dma_start3A_45 = tpu.memref_slice %arg5[%dma_start3A_38, %dma_start3A_44] : memref<50x128xi32, #tpu.memory_space<vmem>> -> memref<1x128xi32, #tpu.memory_space<vmem>>
    %dma_start3A_46 = tpu.memref_squeeze %dma_start3A_45 : memref<1x128xi32, #tpu.memory_space<vmem>> -> memref<128xi32, #tpu.memory_space<vmem>>
    %dma_start3A_47 = arith.constant 0 : i32
    %dma_start3A_48 = arith.constant 0 : i32
    %dma_start3A_49 = tpu.memref_slice %arg3[%dma_start3A_47, %dma_start3A_48] : memref<1000000x128xf32, #tpu.memory_space<hbm>> -> memref<1000000x128xf32, #tpu.memory_space<hbm>>
    tpu.enqueue_indirect_dma source(%dma_start3A_49 : memref<1000000x128xf32, #tpu.memory_space<hbm>>) target(%dma_start3A_43 : memref<128x128xf32, #tpu.memory_space<vmem>>) offsets(%dma_start3A_46 : memref<128xi32, #tpu.memory_space<vmem>>) semaphore(%arg10 : memref<!tpu.dma_semaphore, #tpu.memory_space<semaphore_mem>>)
    %dma_start3A_50 = arith.constant 4 : i32
    %dma_start3A_51 = arith.constant 4 : i32
    %dma_start3A_52 = arith.constant 0 : i32
    %dma_start3A_53 = arith.constant 0 : i32
    %dma_start3A_54 = tpu.memref_slice %arg6[%dma_start3A_51, %dma_start3A_52, %dma_start3A_53] : memref<5x128x128xf32, #tpu.memory_space<vmem>> -> memref<1x128x128xf32, #tpu.memory_space<vmem>>
    %dma_start3A_55 = tpu.memref_squeeze %dma_start3A_54 : memref<1x128x128xf32, #tpu.memory_space<vmem>> -> memref<128x128xf32, #tpu.memory_space<vmem>>
    %dma_start3A_56 = arith.constant 0 : i32
    %dma_start3A_57 = tpu.memref_slice %arg5[%dma_start3A_50, %dma_start3A_56] : memref<50x128xi32, #tpu.memory_space<vmem>> -> memref<1x128xi32, #tpu.memory_space<vmem>>
    %dma_start3A_58 = tpu.memref_squeeze %dma_start3A_57 : memref<1x128xi32, #tpu.memory_space<vmem>> -> memref<128xi32, #tpu.memory_space<vmem>>
    %dma_start3A_59 = arith.constant 0 : i32
    %dma_start3A_60 = arith.constant 0 : i32
    %dma_start3A_61 = tpu.memref_slice %arg3[%dma_start3A_59, %dma_start3A_60] : memref<1000000x128xf32, #tpu.memory_space<hbm>> -> memref<1000000x128xf32, #tpu.memory_space<hbm>>
    tpu.enqueue_indirect_dma source(%dma_start3A_61 : memref<1000000x128xf32, #tpu.memory_space<hbm>>) target(%dma_start3A_55 : memref<128x128xf32, #tpu.memory_space<vmem>>) offsets(%dma_start3A_58 : memref<128xi32, #tpu.memory_space<vmem>>) semaphore(%arg11 : memref<!tpu.dma_semaphore, #tpu.memory_space<semaphore_mem>>)
    %scan3A = arith.constant 0 : i32
    %scan3A_62 = arith.constant 10 : i32
    %scan3A_63 = arith.addi %scan3A, %scan3A_62 : i32
    %scan3A_64 = arith.constant 1 : i32
    scf.for %scan3A_130 = %scan3A to %scan3A_63 step %scan3A_64  : i32 {
      %mul3A_131 = arith.constant 1 : i32
      %mul3A_132 = arith.muli %scan3A_130, %mul3A_131 : i32
      %add3A_133 = arith.constant 0 : i32
      %add3A_134 = arith.addi %add3A_133, %mul3A_132 : i32
      %mul3A_135 = arith.constant 5 : i32
      %mul3A_136 = arith.muli %add3A_134, %mul3A_135 : i32
      %add3A_137 = arith.constant 0 : i32
      %add3A_138 = arith.addi %mul3A_136, %add3A_137 : i32
      %dma_wait3A_139 = arith.constant 0 : i32
      %dma_wait3A_140 = arith.constant 0 : i32
      %dma_wait3A_141 = arith.constant 0 : i32
      %dma_wait3A_142 = arith.constant 0 : i32
      %dma_wait3A_143 = tpu.memref_slice %arg6[%dma_wait3A_140, %dma_wait3A_141, %dma_wait3A_142] : memref<5x128x128xf32, #tpu.memory_space<vmem>> -> memref<1x128x128xf32, #tpu.memory_space<vmem>>
      %dma_wait3A_144 = tpu.memref_squeeze %dma_wait3A_143 : memref<1x128x128xf32, #tpu.memory_space<vmem>> -> memref<128x128xf32, #tpu.memory_space<vmem>>
      %dma_wait3A_145 = arith.constant 0 : i32
      %dma_wait3A_146 = tpu.memref_slice %arg5[%dma_wait3A_139, %dma_wait3A_145] : memref<50x128xi32, #tpu.memory_space<vmem>> -> memref<1x128xi32, #tpu.memory_space<vmem>>
      %dma_wait3A_147 = tpu.memref_squeeze %dma_wait3A_146 : memref<1x128xi32, #tpu.memory_space<vmem>> -> memref<128xi32, #tpu.memory_space<vmem>>
      %dma_wait3A_148 = arith.constant 0 : i32
      %dma_wait3A_149 = arith.constant 0 : i32
      %dma_wait3A_150 = tpu.memref_slice %arg3[%dma_wait3A_148, %dma_wait3A_149] : memref<1000000x128xf32, #tpu.memory_space<hbm>> -> memref<1000000x128xf32, #tpu.memory_space<hbm>>
      tpu.wait_indirect_dma semaphore(%arg7 : memref<!tpu.dma_semaphore, #tpu.memory_space<semaphore_mem>>) src(%dma_wait3A_150 : memref<1000000x128xf32, #tpu.memory_space<hbm>>) dst(%dma_wait3A_144 : memref<128x128xf32, #tpu.memory_space<vmem>>)
      %mul3A_151 = arith.constant 128 : i32
      %mul3A_152 = arith.muli %add3A_138, %mul3A_151 : i32
      %add3A_153 = arith.addi %mul3A_2, %mul3A_152 : i32
      %dma_start3A_154 = arith.constant 0 : i32
      %dma_start3A_155 = arith.constant 0 : i32
      %dma_start3A_156 = arith.constant 0 : i32
      %dma_start3A_157 = tpu.memref_slice %arg6[%dma_start3A_154, %dma_start3A_155, %dma_start3A_156] : memref<5x128x128xf32, #tpu.memory_space<vmem>> -> memref<1x128x128xf32, #tpu.memory_space<vmem>>
      %dma_start3A_158 = tpu.memref_squeeze %dma_start3A_157 : memref<1x128x128xf32, #tpu.memory_space<vmem>> -> memref<128x128xf32, #tpu.memory_space<vmem>>
      %dma_start3A_159 = arith.constant 0 : i32
      %dma_start3A_160 = tpu.memref_slice %arg4[%add3A_153, %dma_start3A_159] : memref<204800x128xf32, #tpu.memory_space<hbm>> -> memref<128x128xf32, #tpu.memory_space<hbm>>
      %dma_start3A_161 = arith.constant 0 : i32
      %dma_start3A_162 = tpu.memref_slice %arg4[%add3A_153, %dma_start3A_161] : memref<204800x128xf32, #tpu.memory_space<hbm>> -> memref<128x128xf32, #tpu.memory_space<hbm>>
      %dma_start3A_163 = arith.constant 0 : i32
      %dma_start3A_164 = arith.constant 0 : i32
      %dma_start3A_165 = tpu.memref_slice %arg6[%dma_start3A_154, %dma_start3A_163, %dma_start3A_164] : memref<5x128x128xf32, #tpu.memory_space<vmem>> -> memref<1x128x128xf32, #tpu.memory_space<vmem>>
      %dma_start3A_166 = tpu.memref_squeeze %dma_start3A_165 : memref<1x128x128xf32, #tpu.memory_space<vmem>> -> memref<128x128xf32, #tpu.memory_space<vmem>>
      tpu.enqueue_dma source(%dma_start3A_166 : memref<128x128xf32, #tpu.memory_space<vmem>>) target(%dma_start3A_162 : memref<128x128xf32, #tpu.memory_space<hbm>>) target_semaphore(%arg12 : memref<!tpu.dma_semaphore, #tpu.memory_space<semaphore_mem>>)
      %lt3A = arith.constant 9 : i32
      %lt3A_167 = arith.cmpi slt, %add3A_134, %lt3A : i32
      %convert_element_type3A = arith.extui %lt3A_167 : i1 to i32
      %cond3A = arith.constant 0 : i32
      %cond3A_168 = arith.cmpi ne, %convert_element_type3A, %cond3A : i32
      scf.if %cond3A_168 {
        %dma_wait3A_317 = arith.constant 0 : i32
        %dma_wait3A_318 = arith.constant 0 : i32
        %dma_wait3A_319 = arith.constant 0 : i32
        %dma_wait3A_320 = tpu.memref_slice %arg6[%dma_wait3A_317, %dma_wait3A_318, %dma_wait3A_319] : memref<5x128x128xf32, #tpu.memory_space<vmem>> -> memref<1x128x128xf32, #tpu.memory_space<vmem>>
        %dma_wait3A_321 = tpu.memref_squeeze %dma_wait3A_320 : memref<1x128x128xf32, #tpu.memory_space<vmem>> -> memref<128x128xf32, #tpu.memory_space<vmem>>
        %dma_wait3A_322 = arith.constant 0 : i32
        %dma_wait3A_323 = tpu.memref_slice %arg4[%mul3A_2, %dma_wait3A_322] : memref<204800x128xf32, #tpu.memory_space<hbm>> -> memref<128x128xf32, #tpu.memory_space<hbm>>
        %dma_wait3A_324 = arith.constant 0 : i32
        %dma_wait3A_325 = tpu.memref_slice %arg4[%mul3A_2, %dma_wait3A_324] : memref<204800x128xf32, #tpu.memory_space<hbm>> -> memref<128x128xf32, #tpu.memory_space<hbm>>
        %dma_wait3A_326 = arith.constant 0 : i32
        %dma_wait3A_327 = arith.constant 0 : i32
        %dma_wait3A_328 = tpu.memref_slice %arg6[%dma_wait3A_317, %dma_wait3A_326, %dma_wait3A_327] : memref<5x128x128xf32, #tpu.memory_space<vmem>> -> memref<1x128x128xf32, #tpu.memory_space<vmem>>
        %dma_wait3A_329 = tpu.memref_squeeze %dma_wait3A_328 : memref<1x128x128xf32, #tpu.memory_space<vmem>> -> memref<128x128xf32, #tpu.memory_space<vmem>>
        tpu.wait_dma2 semaphore(%arg12 : memref<!tpu.dma_semaphore, #tpu.memory_space<semaphore_mem>>) src(%dma_wait3A_329 : memref<128x128xf32, #tpu.memory_space<vmem>>) dst(%dma_wait3A_325 : memref<128x128xf32, #tpu.memory_space<hbm>>)
        %add3A_330 = arith.constant 5 : i32
        %add3A_331 = arith.addi %add3A_138, %add3A_330 : i32
        %dma_start3A_332 = arith.constant 0 : i32
        %dma_start3A_333 = arith.constant 0 : i32
        %dma_start3A_334 = arith.constant 0 : i32
        %dma_start3A_335 = tpu.memref_slice %arg6[%dma_start3A_332, %dma_start3A_333, %dma_start3A_334] : memref<5x128x128xf32, #tpu.memory_space<vmem>> -> memref<1x128x128xf32, #tpu.memory_space<vmem>>
        %dma_start3A_336 = tpu.memref_squeeze %dma_start3A_335 : memref<1x128x128xf32, #tpu.memory_space<vmem>> -> memref<128x128xf32, #tpu.memory_space<vmem>>
        %dma_start3A_337 = arith.constant 0 : i32
        %dma_start3A_338 = tpu.memref_slice %arg5[%add3A_331, %dma_start3A_337] : memref<50x128xi32, #tpu.memory_space<vmem>> -> memref<1x128xi32, #tpu.memory_space<vmem>>
        %dma_start3A_339 = tpu.memref_squeeze %dma_start3A_338 : memref<1x128xi32, #tpu.memory_space<vmem>> -> memref<128xi32, #tpu.memory_space<vmem>>
        %dma_start3A_340 = arith.constant 0 : i32
        %dma_start3A_341 = arith.constant 0 : i32
        %dma_start3A_342 = tpu.memref_slice %arg3[%dma_start3A_340, %dma_start3A_341] : memref<1000000x128xf32, #tpu.memory_space<hbm>> -> memref<1000000x128xf32, #tpu.memory_space<hbm>>
        tpu.enqueue_indirect_dma source(%dma_start3A_342 : memref<1000000x128xf32, #tpu.memory_space<hbm>>) target(%dma_start3A_336 : memref<128x128xf32, #tpu.memory_space<vmem>>) offsets(%dma_start3A_339 : memref<128xi32, #tpu.memory_space<vmem>>) semaphore(%arg7 : memref<!tpu.dma_semaphore, #tpu.memory_space<semaphore_mem>>)
      } else {
      }
      %mul3A_169 = arith.constant 5 : i32
      %mul3A_170 = arith.muli %add3A_134, %mul3A_169 : i32
      %add3A_171 = arith.constant 1 : i32
      %add3A_172 = arith.addi %mul3A_170, %add3A_171 : i32
      %dma_wait3A_173 = arith.constant 0 : i32
      %dma_wait3A_174 = arith.constant 1 : i32
      %dma_wait3A_175 = arith.constant 0 : i32
      %dma_wait3A_176 = arith.constant 0 : i32
      %dma_wait3A_177 = tpu.memref_slice %arg6[%dma_wait3A_174, %dma_wait3A_175, %dma_wait3A_176] : memref<5x128x128xf32, #tpu.memory_space<vmem>> -> memref<1x128x128xf32, #tpu.memory_space<vmem>>
      %dma_wait3A_178 = tpu.memref_squeeze %dma_wait3A_177 : memref<1x128x128xf32, #tpu.memory_space<vmem>> -> memref<128x128xf32, #tpu.memory_space<vmem>>
      %dma_wait3A_179 = arith.constant 0 : i32
      %dma_wait3A_180 = tpu.memref_slice %arg5[%dma_wait3A_173, %dma_wait3A_179] : memref<50x128xi32, #tpu.memory_space<vmem>> -> memref<1x128xi32, #tpu.memory_space<vmem>>
      %dma_wait3A_181 = tpu.memref_squeeze %dma_wait3A_180 : memref<1x128xi32, #tpu.memory_space<vmem>> -> memref<128xi32, #tpu.memory_space<vmem>>
      %dma_wait3A_182 = arith.constant 0 : i32
      %dma_wait3A_183 = arith.constant 0 : i32
      %dma_wait3A_184 = tpu.memref_slice %arg3[%dma_wait3A_182, %dma_wait3A_183] : memref<1000000x128xf32, #tpu.memory_space<hbm>> -> memref<1000000x128xf32, #tpu.memory_space<hbm>>
      tpu.wait_indirect_dma semaphore(%arg8 : memref<!tpu.dma_semaphore, #tpu.memory_space<semaphore_mem>>) src(%dma_wait3A_184 : memref<1000000x128xf32, #tpu.memory_space<hbm>>) dst(%dma_wait3A_178 : memref<128x128xf32, #tpu.memory_space<vmem>>)
      %mul3A_185 = arith.constant 128 : i32
      %mul3A_186 = arith.muli %add3A_172, %mul3A_185 : i32
      %add3A_187 = arith.addi %mul3A_2, %mul3A_186 : i32
      %dma_start3A_188 = arith.constant 1 : i32
      %dma_start3A_189 = arith.constant 0 : i32
      %dma_start3A_190 = arith.constant 0 : i32
      %dma_start3A_191 = tpu.memref_slice %arg6[%dma_start3A_188, %dma_start3A_189, %dma_start3A_190] : memref<5x128x128xf32, #tpu.memory_space<vmem>> -> memref<1x128x128xf32, #tpu.memory_space<vmem>>
      %dma_start3A_192 = tpu.memref_squeeze %dma_start3A_191 : memref<1x128x128xf32, #tpu.memory_space<vmem>> -> memref<128x128xf32, #tpu.memory_space<vmem>>
      %dma_start3A_193 = arith.constant 0 : i32
      %dma_start3A_194 = tpu.memref_slice %arg4[%add3A_187, %dma_start3A_193] : memref<204800x128xf32, #tpu.memory_space<hbm>> -> memref<128x128xf32, #tpu.memory_space<hbm>>
      %dma_start3A_195 = arith.constant 0 : i32
      %dma_start3A_196 = tpu.memref_slice %arg4[%add3A_187, %dma_start3A_195] : memref<204800x128xf32, #tpu.memory_space<hbm>> -> memref<128x128xf32, #tpu.memory_space<hbm>>
      %dma_start3A_197 = arith.constant 0 : i32
      %dma_start3A_198 = arith.constant 0 : i32
      %dma_start3A_199 = tpu.memref_slice %arg6[%dma_start3A_188, %dma_start3A_197, %dma_start3A_198] : memref<5x128x128xf32, #tpu.memory_space<vmem>> -> memref<1x128x128xf32, #tpu.memory_space<vmem>>
      %dma_start3A_200 = tpu.memref_squeeze %dma_start3A_199 : memref<1x128x128xf32, #tpu.memory_space<vmem>> -> memref<128x128xf32, #tpu.memory_space<vmem>>
      tpu.enqueue_dma source(%dma_start3A_200 : memref<128x128xf32, #tpu.memory_space<vmem>>) target(%dma_start3A_196 : memref<128x128xf32, #tpu.memory_space<hbm>>) target_semaphore(%arg13 : memref<!tpu.dma_semaphore, #tpu.memory_space<semaphore_mem>>)
      %lt3A_201 = arith.constant 9 : i32
      %lt3A_202 = arith.cmpi slt, %add3A_134, %lt3A_201 : i32
      %convert_element_type3A_203 = arith.extui %lt3A_202 : i1 to i32
      %cond3A_204 = arith.constant 0 : i32
      %cond3A_205 = arith.cmpi ne, %convert_element_type3A_203, %cond3A_204 : i32
      scf.if %cond3A_205 {
        %dma_wait3A_317 = arith.constant 1 : i32
        %dma_wait3A_318 = arith.constant 0 : i32
        %dma_wait3A_319 = arith.constant 0 : i32
        %dma_wait3A_320 = tpu.memref_slice %arg6[%dma_wait3A_317, %dma_wait3A_318, %dma_wait3A_319] : memref<5x128x128xf32, #tpu.memory_space<vmem>> -> memref<1x128x128xf32, #tpu.memory_space<vmem>>
        %dma_wait3A_321 = tpu.memref_squeeze %dma_wait3A_320 : memref<1x128x128xf32, #tpu.memory_space<vmem>> -> memref<128x128xf32, #tpu.memory_space<vmem>>
        %dma_wait3A_322 = arith.constant 0 : i32
        %dma_wait3A_323 = tpu.memref_slice %arg4[%mul3A_2, %dma_wait3A_322] : memref<204800x128xf32, #tpu.memory_space<hbm>> -> memref<128x128xf32, #tpu.memory_space<hbm>>
        %dma_wait3A_324 = arith.constant 0 : i32
        %dma_wait3A_325 = tpu.memref_slice %arg4[%mul3A_2, %dma_wait3A_324] : memref<204800x128xf32, #tpu.memory_space<hbm>> -> memref<128x128xf32, #tpu.memory_space<hbm>>
        %dma_wait3A_326 = arith.constant 0 : i32
        %dma_wait3A_327 = arith.constant 0 : i32
        %dma_wait3A_328 = tpu.memref_slice %arg6[%dma_wait3A_317, %dma_wait3A_326, %dma_wait3A_327] : memref<5x128x128xf32, #tpu.memory_space<vmem>> -> memref<1x128x128xf32, #tpu.memory_space<vmem>>
        %dma_wait3A_329 = tpu.memref_squeeze %dma_wait3A_328 : memref<1x128x128xf32, #tpu.memory_space<vmem>> -> memref<128x128xf32, #tpu.memory_space<vmem>>
        tpu.wait_dma2 semaphore(%arg13 : memref<!tpu.dma_semaphore, #tpu.memory_space<semaphore_mem>>) src(%dma_wait3A_329 : memref<128x128xf32, #tpu.memory_space<vmem>>) dst(%dma_wait3A_325 : memref<128x128xf32, #tpu.memory_space<hbm>>)
        %add3A_330 = arith.constant 5 : i32
        %add3A_331 = arith.addi %add3A_172, %add3A_330 : i32
        %dma_start3A_332 = arith.constant 1 : i32
        %dma_start3A_333 = arith.constant 0 : i32
        %dma_start3A_334 = arith.constant 0 : i32
        %dma_start3A_335 = tpu.memref_slice %arg6[%dma_start3A_332, %dma_start3A_333, %dma_start3A_334] : memref<5x128x128xf32, #tpu.memory_space<vmem>> -> memref<1x128x128xf32, #tpu.memory_space<vmem>>
        %dma_start3A_336 = tpu.memref_squeeze %dma_start3A_335 : memref<1x128x128xf32, #tpu.memory_space<vmem>> -> memref<128x128xf32, #tpu.memory_space<vmem>>
        %dma_start3A_337 = arith.constant 0 : i32
        %dma_start3A_338 = tpu.memref_slice %arg5[%add3A_331, %dma_start3A_337] : memref<50x128xi32, #tpu.memory_space<vmem>> -> memref<1x128xi32, #tpu.memory_space<vmem>>
        %dma_start3A_339 = tpu.memref_squeeze %dma_start3A_338 : memref<1x128xi32, #tpu.memory_space<vmem>> -> memref<128xi32, #tpu.memory_space<vmem>>
        %dma_start3A_340 = arith.constant 0 : i32
        %dma_start3A_341 = arith.constant 0 : i32
        %dma_start3A_342 = tpu.memref_slice %arg3[%dma_start3A_340, %dma_start3A_341] : memref<1000000x128xf32, #tpu.memory_space<hbm>> -> memref<1000000x128xf32, #tpu.memory_space<hbm>>
        tpu.enqueue_indirect_dma source(%dma_start3A_342 : memref<1000000x128xf32, #tpu.memory_space<hbm>>) target(%dma_start3A_336 : memref<128x128xf32, #tpu.memory_space<vmem>>) offsets(%dma_start3A_339 : memref<128xi32, #tpu.memory_space<vmem>>) semaphore(%arg8 : memref<!tpu.dma_semaphore, #tpu.memory_space<semaphore_mem>>)
      } else {
      }
      %mul3A_206 = arith.constant 5 : i32
      %mul3A_207 = arith.muli %add3A_134, %mul3A_206 : i32
      %add3A_208 = arith.constant 2 : i32
      %add3A_209 = arith.addi %mul3A_207, %add3A_208 : i32
      %dma_wait3A_210 = arith.constant 0 : i32
      %dma_wait3A_211 = arith.constant 2 : i32
      %dma_wait3A_212 = arith.constant 0 : i32
      %dma_wait3A_213 = arith.constant 0 : i32
      %dma_wait3A_214 = tpu.memref_slice %arg6[%dma_wait3A_211, %dma_wait3A_212, %dma_wait3A_213] : memref<5x128x128xf32, #tpu.memory_space<vmem>> -> memref<1x128x128xf32, #tpu.memory_space<vmem>>
      %dma_wait3A_215 = tpu.memref_squeeze %dma_wait3A_214 : memref<1x128x128xf32, #tpu.memory_space<vmem>> -> memref<128x128xf32, #tpu.memory_space<vmem>>
      %dma_wait3A_216 = arith.constant 0 : i32
      %dma_wait3A_217 = tpu.memref_slice %arg5[%dma_wait3A_210, %dma_wait3A_216] : memref<50x128xi32, #tpu.memory_space<vmem>> -> memref<1x128xi32, #tpu.memory_space<vmem>>
      %dma_wait3A_218 = tpu.memref_squeeze %dma_wait3A_217 : memref<1x128xi32, #tpu.memory_space<vmem>> -> memref<128xi32, #tpu.memory_space<vmem>>
      %dma_wait3A_219 = arith.constant 0 : i32
      %dma_wait3A_220 = arith.constant 0 : i32
      %dma_wait3A_221 = tpu.memref_slice %arg3[%dma_wait3A_219, %dma_wait3A_220] : memref<1000000x128xf32, #tpu.memory_space<hbm>> -> memref<1000000x128xf32, #tpu.memory_space<hbm>>
      tpu.wait_indirect_dma semaphore(%arg9 : memref<!tpu.dma_semaphore, #tpu.memory_space<semaphore_mem>>) src(%dma_wait3A_221 : memref<1000000x128xf32, #tpu.memory_space<hbm>>) dst(%dma_wait3A_215 : memref<128x128xf32, #tpu.memory_space<vmem>>)
      %mul3A_222 = arith.constant 128 : i32
      %mul3A_223 = arith.muli %add3A_209, %mul3A_222 : i32
      %add3A_224 = arith.addi %mul3A_2, %mul3A_223 : i32
      %dma_start3A_225 = arith.constant 2 : i32
      %dma_start3A_226 = arith.constant 0 : i32
      %dma_start3A_227 = arith.constant 0 : i32
      %dma_start3A_228 = tpu.memref_slice %arg6[%dma_start3A_225, %dma_start3A_226, %dma_start3A_227] : memref<5x128x128xf32, #tpu.memory_space<vmem>> -> memref<1x128x128xf32, #tpu.memory_space<vmem>>
      %dma_start3A_229 = tpu.memref_squeeze %dma_start3A_228 : memref<1x128x128xf32, #tpu.memory_space<vmem>> -> memref<128x128xf32, #tpu.memory_space<vmem>>
      %dma_start3A_230 = arith.constant 0 : i32
      %dma_start3A_231 = tpu.memref_slice %arg4[%add3A_224, %dma_start3A_230] : memref<204800x128xf32, #tpu.memory_space<hbm>> -> memref<128x128xf32, #tpu.memory_space<hbm>>
      %dma_start3A_232 = arith.constant 0 : i32
      %dma_start3A_233 = tpu.memref_slice %arg4[%add3A_224, %dma_start3A_232] : memref<204800x128xf32, #tpu.memory_space<hbm>> -> memref<128x128xf32, #tpu.memory_space<hbm>>
      %dma_start3A_234 = arith.constant 0 : i32
      %dma_start3A_235 = arith.constant 0 : i32
      %dma_start3A_236 = tpu.memref_slice %arg6[%dma_start3A_225, %dma_start3A_234, %dma_start3A_235] : memref<5x128x128xf32, #tpu.memory_space<vmem>> -> memref<1x128x128xf32, #tpu.memory_space<vmem>>
      %dma_start3A_237 = tpu.memref_squeeze %dma_start3A_236 : memref<1x128x128xf32, #tpu.memory_space<vmem>> -> memref<128x128xf32, #tpu.memory_space<vmem>>
      tpu.enqueue_dma source(%dma_start3A_237 : memref<128x128xf32, #tpu.memory_space<vmem>>) target(%dma_start3A_233 : memref<128x128xf32, #tpu.memory_space<hbm>>) target_semaphore(%arg14 : memref<!tpu.dma_semaphore, #tpu.memory_space<semaphore_mem>>)
      %lt3A_238 = arith.constant 9 : i32
      %lt3A_239 = arith.cmpi slt, %add3A_134, %lt3A_238 : i32
      %convert_element_type3A_240 = arith.extui %lt3A_239 : i1 to i32
      %cond3A_241 = arith.constant 0 : i32
      %cond3A_242 = arith.cmpi ne, %convert_element_type3A_240, %cond3A_241 : i32
      scf.if %cond3A_242 {
        %dma_wait3A_317 = arith.constant 2 : i32
        %dma_wait3A_318 = arith.constant 0 : i32
        %dma_wait3A_319 = arith.constant 0 : i32
        %dma_wait3A_320 = tpu.memref_slice %arg6[%dma_wait3A_317, %dma_wait3A_318, %dma_wait3A_319] : memref<5x128x128xf32, #tpu.memory_space<vmem>> -> memref<1x128x128xf32, #tpu.memory_space<vmem>>
        %dma_wait3A_321 = tpu.memref_squeeze %dma_wait3A_320 : memref<1x128x128xf32, #tpu.memory_space<vmem>> -> memref<128x128xf32, #tpu.memory_space<vmem>>
        %dma_wait3A_322 = arith.constant 0 : i32
        %dma_wait3A_323 = tpu.memref_slice %arg4[%mul3A_2, %dma_wait3A_322] : memref<204800x128xf32, #tpu.memory_space<hbm>> -> memref<128x128xf32, #tpu.memory_space<hbm>>
        %dma_wait3A_324 = arith.constant 0 : i32
        %dma_wait3A_325 = tpu.memref_slice %arg4[%mul3A_2, %dma_wait3A_324] : memref<204800x128xf32, #tpu.memory_space<hbm>> -> memref<128x128xf32, #tpu.memory_space<hbm>>
        %dma_wait3A_326 = arith.constant 0 : i32
        %dma_wait3A_327 = arith.constant 0 : i32
        %dma_wait3A_328 = tpu.memref_slice %arg6[%dma_wait3A_317, %dma_wait3A_326, %dma_wait3A_327] : memref<5x128x128xf32, #tpu.memory_space<vmem>> -> memref<1x128x128xf32, #tpu.memory_space<vmem>>
        %dma_wait3A_329 = tpu.memref_squeeze %dma_wait3A_328 : memref<1x128x128xf32, #tpu.memory_space<vmem>> -> memref<128x128xf32, #tpu.memory_space<vmem>>
        tpu.wait_dma2 semaphore(%arg14 : memref<!tpu.dma_semaphore, #tpu.memory_space<semaphore_mem>>) src(%dma_wait3A_329 : memref<128x128xf32, #tpu.memory_space<vmem>>) dst(%dma_wait3A_325 : memref<128x128xf32, #tpu.memory_space<hbm>>)
        %add3A_330 = arith.constant 5 : i32
        %add3A_331 = arith.addi %add3A_209, %add3A_330 : i32
        %dma_start3A_332 = arith.constant 2 : i32
        %dma_start3A_333 = arith.constant 0 : i32
        %dma_start3A_334 = arith.constant 0 : i32
        %dma_start3A_335 = tpu.memref_slice %arg6[%dma_start3A_332, %dma_start3A_333, %dma_start3A_334] : memref<5x128x128xf32, #tpu.memory_space<vmem>> -> memref<1x128x128xf32, #tpu.memory_space<vmem>>
        %dma_start3A_336 = tpu.memref_squeeze %dma_start3A_335 : memref<1x128x128xf32, #tpu.memory_space<vmem>> -> memref<128x128xf32, #tpu.memory_space<vmem>>
        %dma_start3A_337 = arith.constant 0 : i32
        %dma_start3A_338 = tpu.memref_slice %arg5[%add3A_331, %dma_start3A_337] : memref<50x128xi32, #tpu.memory_space<vmem>> -> memref<1x128xi32, #tpu.memory_space<vmem>>
        %dma_start3A_339 = tpu.memref_squeeze %dma_start3A_338 : memref<1x128xi32, #tpu.memory_space<vmem>> -> memref<128xi32, #tpu.memory_space<vmem>>
        %dma_start3A_340 = arith.constant 0 : i32
        %dma_start3A_341 = arith.constant 0 : i32
        %dma_start3A_342 = tpu.memref_slice %arg3[%dma_start3A_340, %dma_start3A_341] : memref<1000000x128xf32, #tpu.memory_space<hbm>> -> memref<1000000x128xf32, #tpu.memory_space<hbm>>
        tpu.enqueue_indirect_dma source(%dma_start3A_342 : memref<1000000x128xf32, #tpu.memory_space<hbm>>) target(%dma_start3A_336 : memref<128x128xf32, #tpu.memory_space<vmem>>) offsets(%dma_start3A_339 : memref<128xi32, #tpu.memory_space<vmem>>) semaphore(%arg9 : memref<!tpu.dma_semaphore, #tpu.memory_space<semaphore_mem>>)
      } else {
      }
      %mul3A_243 = arith.constant 5 : i32
      %mul3A_244 = arith.muli %add3A_134, %mul3A_243 : i32
      %add3A_245 = arith.constant 3 : i32
      %add3A_246 = arith.addi %mul3A_244, %add3A_245 : i32
      %dma_wait3A_247 = arith.constant 0 : i32
      %dma_wait3A_248 = arith.constant 3 : i32
      %dma_wait3A_249 = arith.constant 0 : i32
      %dma_wait3A_250 = arith.constant 0 : i32
      %dma_wait3A_251 = tpu.memref_slice %arg6[%dma_wait3A_248, %dma_wait3A_249, %dma_wait3A_250] : memref<5x128x128xf32, #tpu.memory_space<vmem>> -> memref<1x128x128xf32, #tpu.memory_space<vmem>>
      %dma_wait3A_252 = tpu.memref_squeeze %dma_wait3A_251 : memref<1x128x128xf32, #tpu.memory_space<vmem>> -> memref<128x128xf32, #tpu.memory_space<vmem>>
      %dma_wait3A_253 = arith.constant 0 : i32
      %dma_wait3A_254 = tpu.memref_slice %arg5[%dma_wait3A_247, %dma_wait3A_253] : memref<50x128xi32, #tpu.memory_space<vmem>> -> memref<1x128xi32, #tpu.memory_space<vmem>>
      %dma_wait3A_255 = tpu.memref_squeeze %dma_wait3A_254 : memref<1x128xi32, #tpu.memory_space<vmem>> -> memref<128xi32, #tpu.memory_space<vmem>>
      %dma_wait3A_256 = arith.constant 0 : i32
      %dma_wait3A_257 = arith.constant 0 : i32
      %dma_wait3A_258 = tpu.memref_slice %arg3[%dma_wait3A_256, %dma_wait3A_257] : memref<1000000x128xf32, #tpu.memory_space<hbm>> -> memref<1000000x128xf32, #tpu.memory_space<hbm>>
      tpu.wait_indirect_dma semaphore(%arg10 : memref<!tpu.dma_semaphore, #tpu.memory_space<semaphore_mem>>) src(%dma_wait3A_258 : memref<1000000x128xf32, #tpu.memory_space<hbm>>) dst(%dma_wait3A_252 : memref<128x128xf32, #tpu.memory_space<vmem>>)
      %mul3A_259 = arith.constant 128 : i32
      %mul3A_260 = arith.muli %add3A_246, %mul3A_259 : i32
      %add3A_261 = arith.addi %mul3A_2, %mul3A_260 : i32
      %dma_start3A_262 = arith.constant 3 : i32
      %dma_start3A_263 = arith.constant 0 : i32
      %dma_start3A_264 = arith.constant 0 : i32
      %dma_start3A_265 = tpu.memref_slice %arg6[%dma_start3A_262, %dma_start3A_263, %dma_start3A_264] : memref<5x128x128xf32, #tpu.memory_space<vmem>> -> memref<1x128x128xf32, #tpu.memory_space<vmem>>
      %dma_start3A_266 = tpu.memref_squeeze %dma_start3A_265 : memref<1x128x128xf32, #tpu.memory_space<vmem>> -> memref<128x128xf32, #tpu.memory_space<vmem>>
      %dma_start3A_267 = arith.constant 0 : i32
      %dma_start3A_268 = tpu.memref_slice %arg4[%add3A_261, %dma_start3A_267] : memref<204800x128xf32, #tpu.memory_space<hbm>> -> memref<128x128xf32, #tpu.memory_space<hbm>>
      %dma_start3A_269 = arith.constant 0 : i32
      %dma_start3A_270 = tpu.memref_slice %arg4[%add3A_261, %dma_start3A_269] : memref<204800x128xf32, #tpu.memory_space<hbm>> -> memref<128x128xf32, #tpu.memory_space<hbm>>
      %dma_start3A_271 = arith.constant 0 : i32
      %dma_start3A_272 = arith.constant 0 : i32
      %dma_start3A_273 = tpu.memref_slice %arg6[%dma_start3A_262, %dma_start3A_271, %dma_start3A_272] : memref<5x128x128xf32, #tpu.memory_space<vmem>> -> memref<1x128x128xf32, #tpu.memory_space<vmem>>
      %dma_start3A_274 = tpu.memref_squeeze %dma_start3A_273 : memref<1x128x128xf32, #tpu.memory_space<vmem>> -> memref<128x128xf32, #tpu.memory_space<vmem>>
      tpu.enqueue_dma source(%dma_start3A_274 : memref<128x128xf32, #tpu.memory_space<vmem>>) target(%dma_start3A_270 : memref<128x128xf32, #tpu.memory_space<hbm>>) target_semaphore(%arg15 : memref<!tpu.dma_semaphore, #tpu.memory_space<semaphore_mem>>)
      %lt3A_275 = arith.constant 9 : i32
      %lt3A_276 = arith.cmpi slt, %add3A_134, %lt3A_275 : i32
      %convert_element_type3A_277 = arith.extui %lt3A_276 : i1 to i32
      %cond3A_278 = arith.constant 0 : i32
      %cond3A_279 = arith.cmpi ne, %convert_element_type3A_277, %cond3A_278 : i32
      scf.if %cond3A_279 {
        %dma_wait3A_317 = arith.constant 3 : i32
        %dma_wait3A_318 = arith.constant 0 : i32
        %dma_wait3A_319 = arith.constant 0 : i32
        %dma_wait3A_320 = tpu.memref_slice %arg6[%dma_wait3A_317, %dma_wait3A_318, %dma_wait3A_319] : memref<5x128x128xf32, #tpu.memory_space<vmem>> -> memref<1x128x128xf32, #tpu.memory_space<vmem>>
        %dma_wait3A_321 = tpu.memref_squeeze %dma_wait3A_320 : memref<1x128x128xf32, #tpu.memory_space<vmem>> -> memref<128x128xf32, #tpu.memory_space<vmem>>
        %dma_wait3A_322 = arith.constant 0 : i32
        %dma_wait3A_323 = tpu.memref_slice %arg4[%mul3A_2, %dma_wait3A_322] : memref<204800x128xf32, #tpu.memory_space<hbm>> -> memref<128x128xf32, #tpu.memory_space<hbm>>
        %dma_wait3A_324 = arith.constant 0 : i32
        %dma_wait3A_325 = tpu.memref_slice %arg4[%mul3A_2, %dma_wait3A_324] : memref<204800x128xf32, #tpu.memory_space<hbm>> -> memref<128x128xf32, #tpu.memory_space<hbm>>
        %dma_wait3A_326 = arith.constant 0 : i32
        %dma_wait3A_327 = arith.constant 0 : i32
        %dma_wait3A_328 = tpu.memref_slice %arg6[%dma_wait3A_317, %dma_wait3A_326, %dma_wait3A_327] : memref<5x128x128xf32, #tpu.memory_space<vmem>> -> memref<1x128x128xf32, #tpu.memory_space<vmem>>
        %dma_wait3A_329 = tpu.memref_squeeze %dma_wait3A_328 : memref<1x128x128xf32, #tpu.memory_space<vmem>> -> memref<128x128xf32, #tpu.memory_space<vmem>>
        tpu.wait_dma2 semaphore(%arg15 : memref<!tpu.dma_semaphore, #tpu.memory_space<semaphore_mem>>) src(%dma_wait3A_329 : memref<128x128xf32, #tpu.memory_space<vmem>>) dst(%dma_wait3A_325 : memref<128x128xf32, #tpu.memory_space<hbm>>)
        %add3A_330 = arith.constant 5 : i32
        %add3A_331 = arith.addi %add3A_246, %add3A_330 : i32
        %dma_start3A_332 = arith.constant 3 : i32
        %dma_start3A_333 = arith.constant 0 : i32
        %dma_start3A_334 = arith.constant 0 : i32
        %dma_start3A_335 = tpu.memref_slice %arg6[%dma_start3A_332, %dma_start3A_333, %dma_start3A_334] : memref<5x128x128xf32, #tpu.memory_space<vmem>> -> memref<1x128x128xf32, #tpu.memory_space<vmem>>
        %dma_start3A_336 = tpu.memref_squeeze %dma_start3A_335 : memref<1x128x128xf32, #tpu.memory_space<vmem>> -> memref<128x128xf32, #tpu.memory_space<vmem>>
        %dma_start3A_337 = arith.constant 0 : i32
        %dma_start3A_338 = tpu.memref_slice %arg5[%add3A_331, %dma_start3A_337] : memref<50x128xi32, #tpu.memory_space<vmem>> -> memref<1x128xi32, #tpu.memory_space<vmem>>
        %dma_start3A_339 = tpu.memref_squeeze %dma_start3A_338 : memref<1x128xi32, #tpu.memory_space<vmem>> -> memref<128xi32, #tpu.memory_space<vmem>>
        %dma_start3A_340 = arith.constant 0 : i32
        %dma_start3A_341 = arith.constant 0 : i32
        %dma_start3A_342 = tpu.memref_slice %arg3[%dma_start3A_340, %dma_start3A_341] : memref<1000000x128xf32, #tpu.memory_space<hbm>> -> memref<1000000x128xf32, #tpu.memory_space<hbm>>
        tpu.enqueue_indirect_dma source(%dma_start3A_342 : memref<1000000x128xf32, #tpu.memory_space<hbm>>) target(%dma_start3A_336 : memref<128x128xf32, #tpu.memory_space<vmem>>) offsets(%dma_start3A_339 : memref<128xi32, #tpu.memory_space<vmem>>) semaphore(%arg10 : memref<!tpu.dma_semaphore, #tpu.memory_space<semaphore_mem>>)
      } else {
      }
      %mul3A_280 = arith.constant 5 : i32
      %mul3A_281 = arith.muli %add3A_134, %mul3A_280 : i32
      %add3A_282 = arith.constant 4 : i32
      %add3A_283 = arith.addi %mul3A_281, %add3A_282 : i32
      %dma_wait3A_284 = arith.constant 0 : i32
      %dma_wait3A_285 = arith.constant 4 : i32
      %dma_wait3A_286 = arith.constant 0 : i32
      %dma_wait3A_287 = arith.constant 0 : i32
      %dma_wait3A_288 = tpu.memref_slice %arg6[%dma_wait3A_285, %dma_wait3A_286, %dma_wait3A_287] : memref<5x128x128xf32, #tpu.memory_space<vmem>> -> memref<1x128x128xf32, #tpu.memory_space<vmem>>
      %dma_wait3A_289 = tpu.memref_squeeze %dma_wait3A_288 : memref<1x128x128xf32, #tpu.memory_space<vmem>> -> memref<128x128xf32, #tpu.memory_space<vmem>>
      %dma_wait3A_290 = arith.constant 0 : i32
      %dma_wait3A_291 = tpu.memref_slice %arg5[%dma_wait3A_284, %dma_wait3A_290] : memref<50x128xi32, #tpu.memory_space<vmem>> -> memref<1x128xi32, #tpu.memory_space<vmem>>
      %dma_wait3A_292 = tpu.memref_squeeze %dma_wait3A_291 : memref<1x128xi32, #tpu.memory_space<vmem>> -> memref<128xi32, #tpu.memory_space<vmem>>
      %dma_wait3A_293 = arith.constant 0 : i32
      %dma_wait3A_294 = arith.constant 0 : i32
      %dma_wait3A_295 = tpu.memref_slice %arg3[%dma_wait3A_293, %dma_wait3A_294] : memref<1000000x128xf32, #tpu.memory_space<hbm>> -> memref<1000000x128xf32, #tpu.memory_space<hbm>>
      tpu.wait_indirect_dma semaphore(%arg11 : memref<!tpu.dma_semaphore, #tpu.memory_space<semaphore_mem>>) src(%dma_wait3A_295 : memref<1000000x128xf32, #tpu.memory_space<hbm>>) dst(%dma_wait3A_289 : memref<128x128xf32, #tpu.memory_space<vmem>>)
      %mul3A_296 = arith.constant 128 : i32
      %mul3A_297 = arith.muli %add3A_283, %mul3A_296 : i32
      %add3A_298 = arith.addi %mul3A_2, %mul3A_297 : i32
      %dma_start3A_299 = arith.constant 4 : i32
      %dma_start3A_300 = arith.constant 0 : i32
      %dma_start3A_301 = arith.constant 0 : i32
      %dma_start3A_302 = tpu.memref_slice %arg6[%dma_start3A_299, %dma_start3A_300, %dma_start3A_301] : memref<5x128x128xf32, #tpu.memory_space<vmem>> -> memref<1x128x128xf32, #tpu.memory_space<vmem>>
      %dma_start3A_303 = tpu.memref_squeeze %dma_start3A_302 : memref<1x128x128xf32, #tpu.memory_space<vmem>> -> memref<128x128xf32, #tpu.memory_space<vmem>>
      %dma_start3A_304 = arith.constant 0 : i32
      %dma_start3A_305 = tpu.memref_slice %arg4[%add3A_298, %dma_start3A_304] : memref<204800x128xf32, #tpu.memory_space<hbm>> -> memref<128x128xf32, #tpu.memory_space<hbm>>
      %dma_start3A_306 = arith.constant 0 : i32
      %dma_start3A_307 = tpu.memref_slice %arg4[%add3A_298, %dma_start3A_306] : memref<204800x128xf32, #tpu.memory_space<hbm>> -> memref<128x128xf32, #tpu.memory_space<hbm>>
      %dma_start3A_308 = arith.constant 0 : i32
      %dma_start3A_309 = arith.constant 0 : i32
      %dma_start3A_310 = tpu.memref_slice %arg6[%dma_start3A_299, %dma_start3A_308, %dma_start3A_309] : memref<5x128x128xf32, #tpu.memory_space<vmem>> -> memref<1x128x128xf32, #tpu.memory_space<vmem>>
      %dma_start3A_311 = tpu.memref_squeeze %dma_start3A_310 : memref<1x128x128xf32, #tpu.memory_space<vmem>> -> memref<128x128xf32, #tpu.memory_space<vmem>>
      tpu.enqueue_dma source(%dma_start3A_311 : memref<128x128xf32, #tpu.memory_space<vmem>>) target(%dma_start3A_307 : memref<128x128xf32, #tpu.memory_space<hbm>>) target_semaphore(%arg16 : memref<!tpu.dma_semaphore, #tpu.memory_space<semaphore_mem>>)
      %lt3A_312 = arith.constant 9 : i32
      %lt3A_313 = arith.cmpi slt, %add3A_134, %lt3A_312 : i32
      %convert_element_type3A_314 = arith.extui %lt3A_313 : i1 to i32
      %cond3A_315 = arith.constant 0 : i32
      %cond3A_316 = arith.cmpi ne, %convert_element_type3A_314, %cond3A_315 : i32
      scf.if %cond3A_316 {
        %dma_wait3A_317 = arith.constant 4 : i32
        %dma_wait3A_318 = arith.constant 0 : i32
        %dma_wait3A_319 = arith.constant 0 : i32
        %dma_wait3A_320 = tpu.memref_slice %arg6[%dma_wait3A_317, %dma_wait3A_318, %dma_wait3A_319] : memref<5x128x128xf32, #tpu.memory_space<vmem>> -> memref<1x128x128xf32, #tpu.memory_space<vmem>>
        %dma_wait3A_321 = tpu.memref_squeeze %dma_wait3A_320 : memref<1x128x128xf32, #tpu.memory_space<vmem>> -> memref<128x128xf32, #tpu.memory_space<vmem>>
        %dma_wait3A_322 = arith.constant 0 : i32
        %dma_wait3A_323 = tpu.memref_slice %arg4[%mul3A_2, %dma_wait3A_322] : memref<204800x128xf32, #tpu.memory_space<hbm>> -> memref<128x128xf32, #tpu.memory_space<hbm>>
        %dma_wait3A_324 = arith.constant 0 : i32
        %dma_wait3A_325 = tpu.memref_slice %arg4[%mul3A_2, %dma_wait3A_324] : memref<204800x128xf32, #tpu.memory_space<hbm>> -> memref<128x128xf32, #tpu.memory_space<hbm>>
        %dma_wait3A_326 = arith.constant 0 : i32
        %dma_wait3A_327 = arith.constant 0 : i32
        %dma_wait3A_328 = tpu.memref_slice %arg6[%dma_wait3A_317, %dma_wait3A_326, %dma_wait3A_327] : memref<5x128x128xf32, #tpu.memory_space<vmem>> -> memref<1x128x128xf32, #tpu.memory_space<vmem>>
        %dma_wait3A_329 = tpu.memref_squeeze %dma_wait3A_328 : memref<1x128x128xf32, #tpu.memory_space<vmem>> -> memref<128x128xf32, #tpu.memory_space<vmem>>
        tpu.wait_dma2 semaphore(%arg16 : memref<!tpu.dma_semaphore, #tpu.memory_space<semaphore_mem>>) src(%dma_wait3A_329 : memref<128x128xf32, #tpu.memory_space<vmem>>) dst(%dma_wait3A_325 : memref<128x128xf32, #tpu.memory_space<hbm>>)
        %add3A_330 = arith.constant 5 : i32
        %add3A_331 = arith.addi %add3A_283, %add3A_330 : i32
        %dma_start3A_332 = arith.constant 4 : i32
        %dma_start3A_333 = arith.constant 0 : i32
        %dma_start3A_334 = arith.constant 0 : i32
        %dma_start3A_335 = tpu.memref_slice %arg6[%dma_start3A_332, %dma_start3A_333, %dma_start3A_334] : memref<5x128x128xf32, #tpu.memory_space<vmem>> -> memref<1x128x128xf32, #tpu.memory_space<vmem>>
        %dma_start3A_336 = tpu.memref_squeeze %dma_start3A_335 : memref<1x128x128xf32, #tpu.memory_space<vmem>> -> memref<128x128xf32, #tpu.memory_space<vmem>>
        %dma_start3A_337 = arith.constant 0 : i32
        %dma_start3A_338 = tpu.memref_slice %arg5[%add3A_331, %dma_start3A_337] : memref<50x128xi32, #tpu.memory_space<vmem>> -> memref<1x128xi32, #tpu.memory_space<vmem>>
        %dma_start3A_339 = tpu.memref_squeeze %dma_start3A_338 : memref<1x128xi32, #tpu.memory_space<vmem>> -> memref<128xi32, #tpu.memory_space<vmem>>
        %dma_start3A_340 = arith.constant 0 : i32
        %dma_start3A_341 = arith.constant 0 : i32
        %dma_start3A_342 = tpu.memref_slice %arg3[%dma_start3A_340, %dma_start3A_341] : memref<1000000x128xf32, #tpu.memory_space<hbm>> -> memref<1000000x128xf32, #tpu.memory_space<hbm>>
        tpu.enqueue_indirect_dma source(%dma_start3A_342 : memref<1000000x128xf32, #tpu.memory_space<hbm>>) target(%dma_start3A_336 : memref<128x128xf32, #tpu.memory_space<vmem>>) offsets(%dma_start3A_339 : memref<128xi32, #tpu.memory_space<vmem>>) semaphore(%arg11 : memref<!tpu.dma_semaphore, #tpu.memory_space<semaphore_mem>>)
      } else {
      }
    }
    %scan3A_65 = arith.constant 10 : i32
    %dma_wait3A = arith.constant 0 : i32
    %dma_wait3A_66 = arith.constant 0 : i32
    %dma_wait3A_67 = arith.constant 0 : i32
    %dma_wait3A_68 = tpu.memref_slice %arg6[%dma_wait3A, %dma_wait3A_66, %dma_wait3A_67] : memref<5x128x128xf32, #tpu.memory_space<vmem>> -> memref<1x128x128xf32, #tpu.memory_space<vmem>>
    %dma_wait3A_69 = tpu.memref_squeeze %dma_wait3A_68 : memref<1x128x128xf32, #tpu.memory_space<vmem>> -> memref<128x128xf32, #tpu.memory_space<vmem>>
    %dma_wait3A_70 = arith.constant 0 : i32
    %dma_wait3A_71 = tpu.memref_slice %arg4[%mul3A_2, %dma_wait3A_70] : memref<204800x128xf32, #tpu.memory_space<hbm>> -> memref<128x128xf32, #tpu.memory_space<hbm>>
    %dma_wait3A_72 = arith.constant 0 : i32
    %dma_wait3A_73 = tpu.memref_slice %arg4[%mul3A_2, %dma_wait3A_72] : memref<204800x128xf32, #tpu.memory_space<hbm>> -> memref<128x128xf32, #tpu.memory_space<hbm>>
    %dma_wait3A_74 = arith.constant 0 : i32
    %dma_wait3A_75 = arith.constant 0 : i32
    %dma_wait3A_76 = tpu.memref_slice %arg6[%dma_wait3A, %dma_wait3A_74, %dma_wait3A_75] : memref<5x128x128xf32, #tpu.memory_space<vmem>> -> memref<1x128x128xf32, #tpu.memory_space<vmem>>
    %dma_wait3A_77 = tpu.memref_squeeze %dma_wait3A_76 : memref<1x128x128xf32, #tpu.memory_space<vmem>> -> memref<128x128xf32, #tpu.memory_space<vmem>>
    tpu.wait_dma2 semaphore(%arg12 : memref<!tpu.dma_semaphore, #tpu.memory_space<semaphore_mem>>) src(%dma_wait3A_77 : memref<128x128xf32, #tpu.memory_space<vmem>>) dst(%dma_wait3A_73 : memref<128x128xf32, #tpu.memory_space<hbm>>)
    %dma_wait3A_78 = arith.constant 1 : i32
    %dma_wait3A_79 = arith.constant 0 : i32
    %dma_wait3A_80 = arith.constant 0 : i32
    %dma_wait3A_81 = tpu.memref_slice %arg6[%dma_wait3A_78, %dma_wait3A_79, %dma_wait3A_80] : memref<5x128x128xf32, #tpu.memory_space<vmem>> -> memref<1x128x128xf32, #tpu.memory_space<vmem>>
    %dma_wait3A_82 = tpu.memref_squeeze %dma_wait3A_81 : memref<1x128x128xf32, #tpu.memory_space<vmem>> -> memref<128x128xf32, #tpu.memory_space<vmem>>
    %dma_wait3A_83 = arith.constant 0 : i32
    %dma_wait3A_84 = tpu.memref_slice %arg4[%mul3A_2, %dma_wait3A_83] : memref<204800x128xf32, #tpu.memory_space<hbm>> -> memref<128x128xf32, #tpu.memory_space<hbm>>
    %dma_wait3A_85 = arith.constant 0 : i32
    %dma_wait3A_86 = tpu.memref_slice %arg4[%mul3A_2, %dma_wait3A_85] : memref<204800x128xf32, #tpu.memory_space<hbm>> -> memref<128x128xf32, #tpu.memory_space<hbm>>
    %dma_wait3A_87 = arith.constant 0 : i32
    %dma_wait3A_88 = arith.constant 0 : i32
    %dma_wait3A_89 = tpu.memref_slice %arg6[%dma_wait3A_78, %dma_wait3A_87, %dma_wait3A_88] : memref<5x128x128xf32, #tpu.memory_space<vmem>> -> memref<1x128x128xf32, #tpu.memory_space<vmem>>
    %dma_wait3A_90 = tpu.memref_squeeze %dma_wait3A_89 : memref<1x128x128xf32, #tpu.memory_space<vmem>> -> memref<128x128xf32, #tpu.memory_space<vmem>>
    tpu.wait_dma2 semaphore(%arg13 : memref<!tpu.dma_semaphore, #tpu.memory_space<semaphore_mem>>) src(%dma_wait3A_90 : memref<128x128xf32, #tpu.memory_space<vmem>>) dst(%dma_wait3A_86 : memref<128x128xf32, #tpu.memory_space<hbm>>)
    %dma_wait3A_91 = arith.constant 2 : i32
    %dma_wait3A_92 = arith.constant 0 : i32
    %dma_wait3A_93 = arith.constant 0 : i32
    %dma_wait3A_94 = tpu.memref_slice %arg6[%dma_wait3A_91, %dma_wait3A_92, %dma_wait3A_93] : memref<5x128x128xf32, #tpu.memory_space<vmem>> -> memref<1x128x128xf32, #tpu.memory_space<vmem>>
    %dma_wait3A_95 = tpu.memref_squeeze %dma_wait3A_94 : memref<1x128x128xf32, #tpu.memory_space<vmem>> -> memref<128x128xf32, #tpu.memory_space<vmem>>
    %dma_wait3A_96 = arith.constant 0 : i32
    %dma_wait3A_97 = tpu.memref_slice %arg4[%mul3A_2, %dma_wait3A_96] : memref<204800x128xf32, #tpu.memory_space<hbm>> -> memref<128x128xf32, #tpu.memory_space<hbm>>
    %dma_wait3A_98 = arith.constant 0 : i32
    %dma_wait3A_99 = tpu.memref_slice %arg4[%mul3A_2, %dma_wait3A_98] : memref<204800x128xf32, #tpu.memory_space<hbm>> -> memref<128x128xf32, #tpu.memory_space<hbm>>
    %dma_wait3A_100 = arith.constant 0 : i32
    %dma_wait3A_101 = arith.constant 0 : i32
    %dma_wait3A_102 = tpu.memref_slice %arg6[%dma_wait3A_91, %dma_wait3A_100, %dma_wait3A_101] : memref<5x128x128xf32, #tpu.memory_space<vmem>> -> memref<1x128x128xf32, #tpu.memory_space<vmem>>
    %dma_wait3A_103 = tpu.memref_squeeze %dma_wait3A_102 : memref<1x128x128xf32, #tpu.memory_space<vmem>> -> memref<128x128xf32, #tpu.memory_space<vmem>>
    tpu.wait_dma2 semaphore(%arg14 : memref<!tpu.dma_semaphore, #tpu.memory_space<semaphore_mem>>) src(%dma_wait3A_103 : memref<128x128xf32, #tpu.memory_space<vmem>>) dst(%dma_wait3A_99 : memref<128x128xf32, #tpu.memory_space<hbm>>)
    %dma_wait3A_104 = arith.constant 3 : i32
    %dma_wait3A_105 = arith.constant 0 : i32
    %dma_wait3A_106 = arith.constant 0 : i32
    %dma_wait3A_107 = tpu.memref_slice %arg6[%dma_wait3A_104, %dma_wait3A_105, %dma_wait3A_106] : memref<5x128x128xf32, #tpu.memory_space<vmem>> -> memref<1x128x128xf32, #tpu.memory_space<vmem>>
    %dma_wait3A_108 = tpu.memref_squeeze %dma_wait3A_107 : memref<1x128x128xf32, #tpu.memory_space<vmem>> -> memref<128x128xf32, #tpu.memory_space<vmem>>
    %dma_wait3A_109 = arith.constant 0 : i32
    %dma_wait3A_110 = tpu.memref_slice %arg4[%mul3A_2, %dma_wait3A_109] : memref<204800x128xf32, #tpu.memory_space<hbm>> -> memref<128x128xf32, #tpu.memory_space<hbm>>
    %dma_wait3A_111 = arith.constant 0 : i32
    %dma_wait3A_112 = tpu.memref_slice %arg4[%mul3A_2, %dma_wait3A_111] : memref<204800x128xf32, #tpu.memory_space<hbm>> -> memref<128x128xf32, #tpu.memory_space<hbm>>
    %dma_wait3A_113 = arith.constant 0 : i32
    %dma_wait3A_114 = arith.constant 0 : i32
    %dma_wait3A_115 = tpu.memref_slice %arg6[%dma_wait3A_104, %dma_wait3A_113, %dma_wait3A_114] : memref<5x128x128xf32, #tpu.memory_space<vmem>> -> memref<1x128x128xf32, #tpu.memory_space<vmem>>
    %dma_wait3A_116 = tpu.memref_squeeze %dma_wait3A_115 : memref<1x128x128xf32, #tpu.memory_space<vmem>> -> memref<128x128xf32, #tpu.memory_space<vmem>>
    tpu.wait_dma2 semaphore(%arg15 : memref<!tpu.dma_semaphore, #tpu.memory_space<semaphore_mem>>) src(%dma_wait3A_116 : memref<128x128xf32, #tpu.memory_space<vmem>>) dst(%dma_wait3A_112 : memref<128x128xf32, #tpu.memory_space<hbm>>)
    %dma_wait3A_117 = arith.constant 4 : i32
    %dma_wait3A_118 = arith.constant 0 : i32
    %dma_wait3A_119 = arith.constant 0 : i32
    %dma_wait3A_120 = tpu.memref_slice %arg6[%dma_wait3A_117, %dma_wait3A_118, %dma_wait3A_119] : memref<5x128x128xf32, #tpu.memory_space<vmem>> -> memref<1x128x128xf32, #tpu.memory_space<vmem>>
    %dma_wait3A_121 = tpu.memref_squeeze %dma_wait3A_120 : memref<1x128x128xf32, #tpu.memory_space<vmem>> -> memref<128x128xf32, #tpu.memory_space<vmem>>
    %dma_wait3A_122 = arith.constant 0 : i32
    %dma_wait3A_123 = tpu.memref_slice %arg4[%mul3A_2, %dma_wait3A_122] : memref<204800x128xf32, #tpu.memory_space<hbm>> -> memref<128x128xf32, #tpu.memory_space<hbm>>
    %dma_wait3A_124 = arith.constant 0 : i32
    %dma_wait3A_125 = tpu.memref_slice %arg4[%mul3A_2, %dma_wait3A_124] : memref<204800x128xf32, #tpu.memory_space<hbm>> -> memref<128x128xf32, #tpu.memory_space<hbm>>
    %dma_wait3A_126 = arith.constant 0 : i32
    %dma_wait3A_127 = arith.constant 0 : i32
    %dma_wait3A_128 = tpu.memref_slice %arg6[%dma_wait3A_117, %dma_wait3A_126, %dma_wait3A_127] : memref<5x128x128xf32, #tpu.memory_space<vmem>> -> memref<1x128x128xf32, #tpu.memory_space<vmem>>
    %dma_wait3A_129 = tpu.memref_squeeze %dma_wait3A_128 : memref<1x128x128xf32, #tpu.memory_space<vmem>> -> memref<128x128xf32, #tpu.memory_space<vmem>>
    tpu.wait_dma2 semaphore(%arg16 : memref<!tpu.dma_semaphore, #tpu.memory_space<semaphore_mem>>) src(%dma_wait3A_129 : memref<128x128xf32, #tpu.memory_space<vmem>>) dst(%dma_wait3A_125 : memref<128x128xf32, #tpu.memory_space<hbm>>)
    return
  }
}

</mosaic_0001>

<sc_bundles>
// kernel: kernel.3.cloned.1.call-start
scs
__scs_entry_jumppad:
0x0: {  	(pc) =	sbr.rel $0x88, $3  }
0x1: {  	(tag) =	ssettag $0x0;
	lr =	simm.s32 $0x1  }
0x2: {  	[smem:$0x3F9F] =	sst lr;
	_ =	strace $0xD0000000  }
0x3: {  	_ = 	snop  }
0x4: {  	_ = 	snop  }
0x5: {  	_ = 	snop  }
0x6: {  	_ = 	snop  }
0x7: {  	_ = 	snop  }
__scs_overlays_trampoline_lowered:
0x8: {  	[smem:$0x3FAE] =	sst s0  }
0x9: {  	[smem:$0x3FAF] =	sst s1  }
0xa: {  	[smem:$0x3FB0] =	sst s2  }
0xb: {  	[smem:$0x3FB1] =	sst s3  }
0xc: {  	[smem:$0x3FB2] =	sst s4  }
0xd: {  	[smem:$0x3FB3] =	sst s5  }
0xe: {  	[smem:$0x3FB4] =	sst s6  }
0xf: {  	[smem:$0x3FB5] =	sst s7  }
0x10: {  	[smem:$0x3FB6] =	sst s8  }
0x11: {  	[smem:$0x3FB7] =	sst s9;
	s0 =	simm.s32 @!p0 $0x0  }
0x12: {  	s1 =	sld [smem:$0x3F9D];
	s0 =	simm.s32 @p0 $0x1  }
0x13: {  	[smem:$0x3FB8] =	sst s0;
	s0 =	simm.s32 @!p1 $0x0  }
0x14: {  	s2 =	sld [smem:$0x3F9C];
	s0 =	simm.s32 @p1 $0x1  }
0x15: {  	[smem:$0x3FB9] =	sst s0;
	s0 =	simm.s32 @!p2 $0x0  }
0x16: {  	s3 =	sld [smem:$0x3FDB];
	s0 =	simm.s32 @p2 $0x1  }
0x17: {  	s4 =	simm.s32 $0x1BF5;
	[smem:$0x3FBB] =	sst s0  }
0x18: {  	s0 =	sld [smem:$0x3F9E];
	_ =	swait.ge [sflag:s4], $0x0  }
0x19: {  	s7 =	sld [smem:$0x3F9F]  }
0x1a: {  	s8 =	sadd.s32 $0xFFFFE003, lr  }
0x1b: {  	s9 =	sadd.s32 $0xFFFFFEF7, lr;
	s5 =	simm.s32 $0xFFFFFFFF;
	p2 =	slt.u32 s8, $0xFFFFF086  }
0x1c: {  	p1 =	slt.u32 s9, $0xF7A;
	s5 =	simm.s32 @!p2 $0x0  }
0x1d: {  	s5 =	simm.s32 @p1 $0x1;
	p0 =	seq.s32 s7, s2  }
0x1e: {  	s7 =	smul.u32 @!p0 $0xF7A, s2;
	p2 =	seq.s32 @!p0 s5, $0x0  }
0x1f: {  	s9 =	smul.u32 $0xF7A, s1;
	s8 =	simm.s32 @!p0 $0x1BF5;
	p2 =	por !p2, p0  }
0x20: {  	[sflag:s8] =	ssyncset.s32 @!p0 $0xFFFFF086;
	s6 =	sadd.s32 @!p0 s3, s7;
	s7 =	simm.s32 @!p0 $0x108  }
0x21: {  	s3 =	sadd.s32 s3, s9;
	s6 =	sadd.s32 @!p0 $0x88, s6;
	s7 =	simm.s32 @p2 $0x1082  }
0x22: {  	[simem:s7], [sflag:s8] =	dma.local @!p0 [hbm:s6], $0xF7A  }
0x23: {  	s9 =	sor.u32 $0xD0000000, s2;
	s6 =	simm.s32 $0x108;
	_ =	swait.ge @!p0 [sflag:s8], $0x0  }
0x24: {  	s3 =	sadd.s32 $0x88, s3;
	s6 =	simm.s32 @!p1 $0x1082;
	[sflag:s4] =	ssyncset.s32 $0xFFFFF086  }
0x25: {  	[simem:s6], [sflag:s4] =	dma.local [hbm:s3], $0xF7A  }
0x26: {  	[smem:$0x3F9F] =	sst s1;
	(tag) =	ssettag s2;
	_ =	strace s9  }
0x27: {  	s1 =	sld [smem:$0x3FAF]  }
0x28: {  	s2 =	sld [smem:$0x3FB0]  }
0x29: {  	s4 =	sld [smem:$0x3FB2]  }
0x2a: {  	p0 =	seq.s32 s5, $0x0;
	s5 =	sld [smem:$0x3FB3]  }
0x2b: {  	s6 =	sld [smem:$0x3FB4]  }
0x2c: {  	s7 =	sld [smem:$0x3FB5]  }
0x2d: {  	s3 =	simm.s32 $0x108;
	s8 =	sld [smem:$0x3FB6]  }
0x2e: {  	s3 =	simm.s32 @!p0 $0x1082;
	s9 =	sld [smem:$0x3FB7]  }
0x2f: {  	lr =	sadd.s32 s0, s3;
	s0 =	sld [smem:$0x3FAE]  }
0x30: {  	s3 =	sld [smem:$0x3FB1]  }
0x31: {  	[smem:$0x3FBA] =	sst s10  }
0x32: {  	s10 =	sld [smem:$0x3FB8];
	_ =	sdelay $0x3  }
0x33: {  	p0 =	seq.s32 s10, $0x1;
	s10 =	sld [smem:$0x3FBA];
	_ =	sdelay $0x3  }
0x34: {  	[smem:$0x3FBA] =	sst s10  }
0x35: {  	s10 =	sld [smem:$0x3FB9];
	_ =	sdelay $0x3  }
0x36: {  	p1 =	seq.s32 s10, $0x1;
	s10 =	sld [smem:$0x3FBA];
	_ =	sdelay $0x3  }
0x37: {  	[smem:$0x3FBA] =	sst s10  }
0x38: {  	s10 =	sld [smem:$0x3FBB]  }
0x39: {  	_ = 	snop;
	(pc) =	sbr.ind lr, $3  }
0x3a: {  	_ = 	snop  }
0x3b: {  	_ = 	snop  }
0x3c: {  	p2 =	seq.s32 s10, $0x1;
	s10 =	sld [smem:$0x3FBA]  }
0x3d: {  	_ =	shalt  }
0x3e: {  	_ =	shalt  }
0x3f: {  	_ =	shalt  }
0x40: {  	_ =	shalt  }
0x41: {  	_ =	shalt  }
0x42: {  	_ =	shalt  }
0x43: {  	_ =	shalt  }
0x44: {  	_ =	shalt  }
0x45: {  	_ =	shalt  }
0x46: {  	_ =	shalt  }
0x47: {  	_ =	shalt  }
0x48: {  	_ =	shalt  }
0x49: {  	_ =	shalt  }
0x4a: {  	_ =	shalt  }
0x4b: {  	_ =	shalt  }
0x4c: {  	_ =	shalt  }
0x4d: {  	_ =	shalt  }
0x4e: {  	_ =	shalt  }
0x4f: {  	_ =	shalt  }
0x50: {  	_ =	shalt  }
0x51: {  	_ =	shalt  }
0x52: {  	_ =	shalt  }
0x53: {  	_ =	shalt  }
0x54: {  	_ =	shalt  }
0x55: {  	_ =	shalt  }
0x56: {  	_ =	shalt  }
0x57: {  	_ =	shalt  }
0x58: {  	_ =	shalt  }
0x59: {  	_ =	shalt  }
0x5a: {  	_ =	shalt  }
0x5b: {  	_ =	shalt  }
0x5c: {  	_ =	shalt  }
0x5d: {  	_ =	shalt  }
0x5e: {  	_ =	shalt  }
0x5f: {  	_ =	shalt  }
0x60: {  	_ =	shalt  }
0x61: {  	_ =	shalt  }
0x62: {  	_ =	shalt  }
0x63: {  	_ =	shalt  }
0x64: {  	_ =	shalt  }
0x65: {  	_ =	shalt  }
0x66: {  	_ =	shalt  }
0x67: {  	_ =	shalt  }
0x68: {  	_ =	shalt  }
0x69: {  	_ =	shalt  }
0x6a: {  	_ =	shalt  }
0x6b: {  	_ =	shalt  }
0x6c: {  	_ =	shalt  }
0x6d: {  	_ =	shalt  }
0x6e: {  	_ =	shalt  }
0x6f: {  	_ =	shalt  }
0x70: {  	_ =	shalt  }
0x71: {  	_ =	shalt  }
0x72: {  	_ =	shalt  }
0x73: {  	_ =	shalt  }
0x74: {  	_ =	shalt  }
0x75: {  	_ =	shalt  }
0x76: {  	_ =	shalt  }
0x77: {  	_ =	shalt  }
0x78: {  	_ =	shalt  }
0x79: {  	_ =	shalt  }
0x7a: {  	_ =	shalt  }
0x7b: {  	_ =	shalt  }
0x7c: {  	_ =	shalt  }
0x7d: {  	_ =	shalt  }
0x7e: {  	_ =	shalt  }
0x7f: {  	_ =	shalt  }
0x80: {  	_ =	shalt  }
0x81: {  	_ =	shalt  }
0x82: {  	_ =	shalt  }
0x83: {  	_ =	shalt  }
0x84: {  	_ =	shalt  }
0x85: {  	_ =	shalt  }
0x86: {  	_ =	shalt  }
0x87: {  	_ =	shalt  }
.Lfunc_end0:
.L_simem_size_0:
called_computation_lowered:
.L_overlay_start_0:
0x88: {  	s2 =	sld [smem:$0x3FD9]  }
0x89: {  	s3 =	sld [smem:$0x3FFE];
	_ =	sdelay $0x1  }
0x8a: {  	s1 =	srdreg.scid  }
0x8b: {  	s0 =	sand.u32 $0x1, s1  }
0x8c: {  	s17 =	sshll.u32 s0, $0xA;
	s2 =	sadd.s32 s3, s2  }
0x8d: {  	s2 =	sadd.s32 s2, s17  }
0x8e: {  	[smem:$0x3FC6] =	sst s2  }
0x8f: {  	_ = 	snop  }
0x90: {  	s2 =	sld [smem:$0x3FC8]  }
0x91: {  	s18 =	sld [smem:$0x3FD0];
	(tm) =	ssettm $0x1  }
0x92: {  	s4 =	sld [smem:$0x3FFB];
	_ =	sdelay $0x3  }
0x93: {  	_ =	strace s4  }
0x94: {  	s4 =	sld [smem:$0x3FFC];
	_ =	sdelay $0x3  }
0x95: {  	_ =	strace s4  }
0x96: {  	s4 =	sld [smem:$0x3FFD];
	_ =	sdelay $0x3  }
0x97: {  	_ =	strace s4  }
0x98: {  	_ =	strace $0x8FFFFFFF  }
0x99: {  	s19 =	sld [smem:$0x3FDB];
	_ =	sdelay $0x1  }
0x9a: {  	s5 =	simm.s32 $_scs_section_size  }
0x9b: {  	s6 =	simm.s32 $_size__tile_overlayer_lowered;
	s7 =	simm.s32 $_tile_overlayer_lowered  }
0x9c: {  	s22 =	simm.s32 $0x1BFF;
	s21 =	sshll.u32 s7, $0x1;
	s4 =	sadd.s32 s5, s19  }
0x9d: {  	s8 =	simm.s32 $0x0;
	s20 =	sshll.u32 s6, $0x1;
	s6 =	sadd.s32 s21, s4  }
0x9e: {  	[timem:s8], [sflag:s22] =	dma.local [hbm:s6], s20  }
0x9f: {  	_ =	swait.ge [sflag:s22], s20  }
0xa0: {  	s5 =	ssub.s32 $0x0, s20;
	[sflag:s22] =	ssyncset.done $0x0  }
0xa1: {  	[sflag:s22] =	ssyncadd.s32 s5;
	_ =	sdelay $0x1  }
0xa2: {  	s23 =	simm.s32 $0x1B8B  }
0xa3: {  	_ =	swait.ge [sflag:s23], $0x1  }
0xa4: {  	[sflag:s23] =	ssyncset.done $0x0  }
0xa5: {  	s25 =	simm.s32 $0x1B8E;
	s24 =	sld [smem:$0x3FFE];
	[sflag:s23] =	ssyncadd.s32 $0xFFFFFFFF  }
0xa6: {  	s26 =	simm.s32 $execute0_lowered;
	[smem:$0x3FD2] =	sst s25  }
0xa7: {  	s6 =	sshll.u32 s26, $0x1;
	_ =	strace $0x80000046;
	[dreg:$0x1] =	wrdreg $0xFFFFFFFF  }
0xa8: {  	s28 =	simm.s32 $_size_execute0_lowered;
	s4 =	sadd.s32 s4, s6;
	[dreg:$0x0] =	wrdreg $0x0  }
0xa9: {  	s6 =	sshll.u32 s28, $0x1;
	[dreg:$0x2] =	wrdreg s4  }
0xaa: {  	[dreg:$0x3] =	wrdreg s6  }
0xab: {  	[dreg:$0x4] =	wrdreg $0xC0  }
0xac: {  	_ =	task [dreg:s8], $0x5FFFF  }
0xad: {  	[dreg:$0x1] =	wrdreg $0xFFFFFFFF  }
0xae: {  	[dreg:$0x0] =	wrdreg $0x60  }
0xaf: {  	[dreg:$0x2] =	wrdreg s24  }
0xb0: {  	[dreg:$0x3] =	wrdreg s2  }
0xb1: {  	[dreg:$0x4] =	wrdreg s18  }
0xb2: {  	[dreg:$0x5] =	wrdreg $0x9  }
0xb3: {  	_ =	task.clear_ibuf [dreg:s8], $0x6FFFF;
	_ =	strace $0x90000046  }
0xb4: {  	s29 =	simm.s32 $0x9;
	_ =	strace $0x80000048  }
0xb5: {  	_ =	swait.ge [sflag:s29], $0x1  }
0xb6: {  	[sflag:s29] =	ssyncadd.s32 $0xFFFFFFFF  }
0xb7: {  	_ =	strace $0x90000048  }
0xb8: {  	_ =	sfence  }
0xb9: {  	s30 =	sld [smem:$0x0];
	_ =	sdelay $0x2  }
0xba: {  	s31 =	sshll.u32 s1, $0xD;
	s1 =	sshrl.u32 s1, $0x2  }
0xbb: {  	s3 =	sand.u32 $0x4000, s31;
	s1 =	sadd.s32 s1, s30  }
0xbc: {  	s0 =	sor.u32 s3, s0;
	s1 =	sshll.u32 s1, $0x11  }
0xbd: {  	s0 =	sor.u32 s1, s0  }
0xbe: {  	s0 =	sadd.s32 $0x8F2B, s0  }
0xbf: {  	[sflag:s0] =	ssyncadd.remote.s32 $0x1  }
0xc0: {  	_ =	sfence.sel $0xFFFF  }
0xc1: {  	[dreg:$0x0] =	wrdreg $0xFFFFFFFF;
	(pc) =	sbr.abs _section_cstart, $3  }
0xc2: {  	[dreg:$0x1] =	wrdreg $0xFFFFFFFF  }
0xc3: {  	_ =	task.clear_ibuf [dreg:s8], $0x2FFFF;
	_ =	strace $0x9FFFFFFF  }
0xc4: {  	(tm) =	ssettm $0x7FFFFFFF  }
0xc5: {  	_ =	shalt  }
tec
execute0_lowered:
.L_overlay_start_1:
0x0: {  	(tag) =	ssettag $0x1  }
0x1: {  	s4 =	rddreg [dreg:$0x0]  }
0x2: {  	s1 =	srdreg.scid;
	s2 =	rddreg [dreg:$0x1]  }
0x3: {  	s0 =	stileid.u32;
	s6 =	rddreg [dreg:$0x2]  }
0x4: {  	s3 =	simm.s32 $0x0;
	s14 =	simm.s32 $0x9C00;
	s16 =	simm.s32 $0xDC00  }
0x5: {  	s17 =	simm.s32 $0x200;
	s18 =	simm.s32 $0x11C00;
	s19 =	simm.s32 $0x1  }
0x6: {  	s20 =	simm.s32 $0x3;
	s21 =	simm.s32 $0x5;
	s22 =	simm.s32 $0x6  }
0x7: {  	s23 =	simm.s32 $0x7;
	s24 =	simm.s32 $0x8;
	s28 =	simm.s32 $0x0  }
0x8: {  	s5 =	sand.u32 $0x1, s1;
	s25 =	sshll.u32 s0, $0x1;
	s11 =	smul.u32 $0x32000, s0  }
0x9: {  	[smem:$0x7FF] =	sst s3;
	s7 =	sor.u32 s5, s25;
	s29 =	smul.u32 $0x19000, s5  }
0xa: {  	s9 =	ssub.s32 $0x2, s5;
	_ =	strace $0x80000047;
	s8 =	smul.u32 $0x380, s7  }
0xb: {  	s25 =	simm.s32 $0x9;
	s7 =	smul.u32 $0x19000, s7;
	s10 =	sshrl.u32 s9, $0x1  }
.Ltmp0:
0xc: {  	s30 =	sadd.s32 s11, s6;
	s11 =	simm.s32 $0x1C00;
	(pc) =	sbr.rel .LBB2_1-.Ltmp0, $4  }
0xd: {  	s26 =	ssub.s32 s9, s10;
	s31 =	sadd.s32 s29, s30;
	s9 =	simm.s32 $0xB  }
0xe: {  	s10 =	simm.s32 $0x80;
	s4 =	sadd.s32 s8, s4;
	s7 =	sadd.s32 s6, s7  }
0xf: {  	s5 =	smax.u32 s26, $0x1;
	s8 =	sadd.s32 $0x2000, s31;
	s26 =	simm.s32 $0xA  }
0x10: {  	s4 =	sadd.s32 $0x400, s4;
	s6 =	sadd.s32 $0x17000, s7;
	s7 =	sadd.s32 $0x18000, s7  }
.LBB2_4:
0x11: {  	_ =	swait.ge [sflag:s22], $0x4000  }
0x12: {  	[sflag:s22] =	ssyncset.done $0x0  }
0x13: {  	[sflag:s22] =	ssyncadd.s32 $0xFFFFC000  }
0x14: {  	_ =	swait.ge [sflag:s23], $0x4000  }
0x15: {  	[sflag:s23] =	ssyncset.done $0x0  }
0x16: {  	[sflag:s23] =	ssyncadd.s32 $0xFFFFC000  }
0x17: {  	_ =	swait.ge [sflag:s24], $0x4000  }
0x18: {  	[sflag:s24] =	ssyncset.done $0x0  }
0x19: {  	s28 =	sadd.s32 $0x1, s28;
	[sflag:s24] =	ssyncadd.s32 $0xFFFFC000  }
0x1a: {  	p0 =	sne.s32 s28, s5;
	_ =	swait.ge [sflag:s25], $0x4000  }
.Ltmp1:
0x1b: {  	[sflag:s25] =	ssyncset.done $0x0;
	(pc) =	sbr.rel @!p0 .LBB2_5-.Ltmp1, $4  }
0x1c: {  	[sflag:s25] =	ssyncadd.s32 $0xFFFFC000  }
0x1d: {  	_ =	swait.ge [sflag:s26], $0x4000  }
0x1e: {  	[sflag:s26] =	ssyncset.done $0x0  }
0x1f: {  	[sflag:s26] =	ssyncadd.s32 $0xFFFFC000  }
.LBB2_1:
0x20: {  	[tilespmem:s3], [sflag:$0xB] =	stream.linear.gather [hbm4b:s4+s3], $0x1900, $0x38;
	[tilespmem:$0x15C00] =	vst v63  }
0x21: {  	_ =	swait.ge [sflag:s9], $0x1900  }
0x22: {  	[sflag:s9] =	ssyncset.done $0x0  }
0x23: {  	[sflag:s9] =	ssyncadd.s32 $0xFFFFE700  }
0x24: {  	[tilespmem:s11], [sflag:$0x1] =	stream.indirect.gather [hbm4b:s2+s10], $0x80, s3, s10, $0xb8;
	[tilespmem:$0x15C00] =	vst v63  }
0x25: {  	s0 =	simm.s32 $0x5C00  }
0x26: {  	[tilespmem:s0], [sflag:$0x2] =	stream.indirect.gather [hbm4b:s2+s10], $0x80, s10, s10, $0xb8;
	[tilespmem:$0x15C00] =	vst v63  }
0x27: {  	s15 =	simm.s32 $0x100  }
0x28: {  	[tilespmem:s14], [sflag:$0x3] =	stream.indirect.gather [hbm4b:s2+s10], $0x80, s15, s10, $0xb8;
	[tilespmem:$0x15C00] =	vst v63  }
0x29: {  	s31 =	simm.s32 $0x180  }
0x2a: {  	[tilespmem:s16], [sflag:$0x4] =	stream.indirect.gather [hbm4b:s2+s10], $0x80, s31, s10, $0xb8;
	[tilespmem:$0x15C00] =	vst v63  }
0x2b: {  	s29 =	smov.u32 s8;
	s30 =	simm.s32 $0x0  }
0x2c: {  	[tilespmem:s18], [sflag:$0x5] =	stream.indirect.gather [hbm4b:s2+s10], $0x80, s17, s10, $0xb8;
	[tilespmem:$0x15C00] =	vst v63  }
.LBB2_2:
0x2d: {  	_ =	swait.ge [sflag:s19], $0x4000  }
0x2e: {  	[sflag:s19] =	ssyncset.done $0x0  }
0x2f: {  	s31 =	sadd.s32 $0xFFFFE000, s29;
	p0 =	seq.s32 s30, $0x5A00;
	[sflag:s19] =	ssyncadd.s32 $0xFFFFC000  }
0x30: {  	[hbm4b:s31+s3] =	stream.linear.scatter [tilespmem:s11], [sflag:$0x6], $0x4000, $0x38;
	[tilespmem:$0x15C00] =	vst v63  }
0x31: {  	s31 =	simm.s32 @p0 $0x2  }
0x32: {  	_ =	swait.ge @p0 [sflag:s31], $0x4000  }
0x33: {  	[sflag:s31] =	ssyncset.done @p0 $0x0  }
0x34: {  	s1 =	simm.s32 @p0 $0x5C00;
	[sflag:s31] =	ssyncadd.s32 @p0 $0xFFFFC000;
	s31 =	simm.s32 @p0 $0x0  }
0x35: {  	[hbm4b:s6+s31] =	stream.linear.scatter @p0 [tilespmem:s1], [sflag:$0x7], $0x4000, $0x38;
	[tilespmem:$0x15C00] =	vst v63  }
0x36: {  	s1 =	simm.s32 @!p0 $0x6  }
0x37: {  	_ =	swait.ge @!p0 [sflag:s1], $0x4000  }
0x38: {  	[sflag:s1] =	ssyncset.done @!p0 $0x0  }
0x39: {  	[sflag:s1] =	ssyncadd.s32 @!p0 $0xFFFFC000;
	s1 =	sshra.s32 @!p0 s30, $0x2  }
0x3a: {  	s12 =	simm.s32 @!p0 $0x80;
	s13 =	simm.s32 @!p0 $0x1C00;
	s0 =	sadd.s32 @!p0 $0x280, s1  }
0x3b: {  	[tilespmem:s13], [sflag:$0x1] =	stream.indirect.gather @!p0 [hbm4b:s2+s12], $0x80, s0, s12, $0xb8;
	[tilespmem:$0x15C00] =	vst v63  }
0x3c: {  	s0 =	simm.s32 @!p0 $0x2  }
0x3d: {  	_ =	swait.ge @!p0 [sflag:s0], $0x4000  }
0x3e: {  	s15 =	simm.s32 @!p0 $0x5C00;
	[sflag:s0] =	ssyncset.done @!p0 $0x0  }
0x3f: {  	s13 =	simm.s32 @!p0 $0x0;
	[sflag:s0] =	ssyncadd.s32 @!p0 $0xFFFFC000;
	s0 =	sadd.s32 @!p0 $0xFFFFE800, s29  }
0x40: {  	[hbm4b:s0+s13] =	stream.linear.scatter @!p0 [tilespmem:s15], [sflag:$0x7], $0x4000, $0x38;
	[tilespmem:$0x15C00] =	vst v63  }
0x41: {  	s0 =	simm.s32 @!p0 $0x7  }
0x42: {  	_ =	swait.ge @!p0 [sflag:s0], $0x4000  }
0x43: {  	[sflag:s0] =	ssyncset.done @!p0 $0x0  }
0x44: {  	[sflag:s0] =	ssyncadd.s32 @!p0 $0xFFFFC000;
	s0 =	sadd.s32 @!p0 $0x300, s1  }
0x45: {  	[tilespmem:s15], [sflag:$0x2] =	stream.indirect.gather @!p0 [hbm4b:s2+s12], $0x80, s0, s12, $0xb8;
	[tilespmem:$0x15C00] =	vst v63  }
0x46: {  	_ =	swait.ge [sflag:s20], $0x4000  }
0x47: {  	[sflag:s20] =	ssyncset.done $0x0  }
0x48: {  	s15 =	sadd.s32 $0xFFFFF000, s29;
	s0 =	simm.s32 @p0 $0x4;
	[sflag:s20] =	ssyncadd.s32 $0xFFFFC000  }
0x49: {  	[hbm4b:s15+s3] =	stream.linear.scatter [tilespmem:s14], [sflag:$0x8], $0x4000, $0x38;
	[tilespmem:$0x15C00] =	vst v63  }
0x4a: {  	_ =	swait.ge @p0 [sflag:s0], $0x4000  }
0x4b: {  	[sflag:s0] =	ssyncset.done @p0 $0x0  }
0x4c: {  	[sflag:s0] =	ssyncadd.s32 @p0 $0xFFFFC000;
	s0 =	simm.s32 @p0 $0xDC00  }
0x4d: {  	[hbm4b:s7+s31] =	stream.linear.scatter @p0 [tilespmem:s0], [sflag:$0x9], $0x4000, $0x38;
	[tilespmem:$0x15C00] =	vst v63  }
0x4e: {  	s0 =	simm.s32 @!p0 $0x8  }
0x4f: {  	_ =	swait.ge @!p0 [sflag:s0], $0x4000  }
0x50: {  	[sflag:s0] =	ssyncset.done @!p0 $0x0  }
0x51: {  	s15 =	simm.s32 @!p0 $0x9C00;
	[sflag:s0] =	ssyncadd.s32 @!p0 $0xFFFFC000;
	s0 =	sadd.s32 @!p0 $0x380, s1  }
0x52: {  	[tilespmem:s15], [sflag:$0x3] =	stream.indirect.gather @!p0 [hbm4b:s2+s12], $0x80, s0, s12, $0xb8;
	[tilespmem:$0x15C00] =	vst v63  }
0x53: {  	s0 =	simm.s32 @!p0 $0x4  }
0x54: {  	_ =	swait.ge @!p0 [sflag:s0], $0x4000  }
0x55: {  	[sflag:s0] =	ssyncset.done @!p0 $0x0  }
0x56: {  	s15 =	simm.s32 @!p0 $0xDC00;
	[sflag:s0] =	ssyncadd.s32 @!p0 $0xFFFFC000;
	s0 =	sadd.s32 @!p0 $0xFFFFF800, s29  }
0x57: {  	[hbm4b:s0+s13] =	stream.linear.scatter @!p0 [tilespmem:s15], [sflag:$0x9], $0x4000, $0x38;
	[tilespmem:$0x15C00] =	vst v63  }
0x58: {  	s0 =	simm.s32 @!p0 $0x9  }
0x59: {  	_ =	swait.ge @!p0 [sflag:s0], $0x4000  }
0x5a: {  	[sflag:s0] =	ssyncset.done @!p0 $0x0  }
0x5b: {  	[sflag:s0] =	ssyncadd.s32 @!p0 $0xFFFFC000;
	s0 =	sadd.s32 @!p0 $0x400, s1  }
0x5c: {  	[tilespmem:s15], [sflag:$0x4] =	stream.indirect.gather @!p0 [hbm4b:s2+s12], $0x80, s0, s12, $0xb8;
	[tilespmem:$0x15C00] =	vst v63  }
.Ltmp2:
0x5d: {  	_ = 	snop;
	(pc) =	sbr.rel @p0 .LBB2_4-.Ltmp2, $4  }
0x5e: {  	_ =	swait.ge [sflag:s21], $0x4000  }
0x5f: {  	[sflag:s21] =	ssyncset.done $0x0  }
0x60: {  	[sflag:s21] =	ssyncadd.s32 $0xFFFFC000  }
0x61: {  	[hbm4b:s29+s3] =	stream.linear.scatter [tilespmem:s18], [sflag:$0xA], $0x4000, $0x38;
	[tilespmem:$0x15C00] =	vst v63  }
.Ltmp3:
0x62: {  	(pc) =	sbr.rel .LBB2_2-.Ltmp3, $4  }
0x63: {  	_ =	swait.ge [sflag:s26], $0x4000  }
0x64: {  	s0 =	sshra.s32 s30, $0x2;
	s30 =	sadd.s32 $0xA00, s30;
	[sflag:s26] =	ssyncset.done $0x0  }
0x65: {  	s29 =	sadd.s32 $0x2800, s29;
	s0 =	sadd.s32 $0x480, s0;
	[sflag:s26] =	ssyncadd.s32 $0xFFFFC000  }
0x66: {  	[tilespmem:s18], [sflag:$0x5] =	stream.indirect.gather [hbm4b:s2+s10], $0x80, s0, s10, $0xb8;
	[tilespmem:$0x15C00] =	vst v63  }
.LBB2_5:
0x67: {  	_ =	sfence.sel $0x180000  }
0x68: {  	[bflag:$0x0] =	sbarrier.arrive $0xFFFF  }
0x69: {  	_ =	strace $0x90000047  }
0x6a: {  	s0 =	stileid.u32;
	[bflag:$0x2] =	sbarrier.arrive $0xFFFF  }
0x6b: {  	p0 =	sne.s32 s0, $0x0;
	s0 =	rddreg [dreg:$0x3]  }
0x6c: {  	s0 =	sadd.s32 @!p0 $0x100000, s0  }
0x6d: {  	[sflag:s0] =	ssyncadd.tile.s32 @!p0 $0x1;
	_ =	shalt  }
.Lfunc_end2:
_tile_overlayer_lowered:
.L_overlay_start_2:
0x6e: {  	(tag) =	ssettag $0x2  }
0x6f: {  	s0 =	rddreg [dreg:$0x0];
	s2 =	stileid.u32  }
0x70: {  	s1 =	rddreg [dreg:$0x1];
	p0 =	sne.s32 s2, $0x0  }
0x71: {  	s3 =	rddreg [dreg:$0x2];
	[bflag:$0x3] =	sbarrier.arrive $0xFFFF;
	s2 =	simm.s32 @!p0 $0x1C0B  }
0x72: {  	[timem:s3], [sflag:s2] =	dma.local @!p0 [hbm:s0], s1  }
0x73: {  	s0 =	simm.s32 @!p0 $0xB  }
0x74: {  	_ =	swait.ge @!p0 [sflag:s0], s1  }
0x75: {  	s1 =	ssub.s32 @!p0 $0x0, s1;
	[sflag:s0] =	ssyncset.done @!p0 $0x0  }
0x76: {  	[sflag:s0] =	ssyncadd.s32 @!p0 s1  }
0x77: {  	[bflag:$0x3] =	sbarrier.arrive $0xFFFF  }
0x78: {  	_ =	shalt  }

</sc_bundles>
